<compile_context>
chip_gen: v7x
topology: tpu7x:2x2x1
jax: 0.10.2.dev20260603
libtpu: 0.0.44.dev20260713+nightly
codegen_flags: <defaults>
</compile_context>

<pallas_src>
import jax
import jax.numpy as jnp
from jax import lax
from jax.experimental import pallas as pl
from jax.experimental.pallas import tpu as pltpu
from jax.experimental.pallas import tpu_sc as plsc

N_NODES = 100000
M_EDGES = 6400000
NUM_WORKERS = 32
CHUNK = 2048
TOTAL_CHUNKS = M_EDGES // CHUNK
BASE_CHUNKS = TOTAL_CHUNKS // NUM_WORKERS
EXTRA = TOTAL_CHUNKS - BASE_CHUNKS * NUM_WORKERS
L = 16


def _newton_sqrt(sq):
    i = plsc.bitcast(sq, jnp.int32)
    i = jnp.int32(0x5F3759DF) - (i >> 1)
    y = plsc.bitcast(i, jnp.float32)
    t = sq * jnp.float32(0.5)
    y = y * (jnp.float32(1.5) - (t * y) * y)
    y = y * (jnp.float32(1.5) - (t * y) * y)
    return sq * y


def _body(pos8_hbm, ei_hbm, eiout_hbm, w_hbm, vec_hbm,
          idx_v, rows_v, vec_v, w_v, sem):
    wid = lax.axis_index("c") * 16 + lax.axis_index("s")
    n_chunks = BASE_CHUNKS + jnp.where(wid < EXTRA, 1, 0)

    iota = lax.iota(jnp.int32, L)
    c0 = jnp.zeros((L,), jnp.int32)
    c1 = jnp.full((L,), 1, jnp.int32)
    c2 = jnp.full((L,), 2, jnp.int32)

    def chunk_body(g, carry):
        t = wid + g * NUM_WORKERS
        base = t * CHUNK
        pltpu.sync_copy(ei_hbm.at[pl.ds(2 * base, 2 * CHUNK)], idx_v)
        pltpu.async_copy(pos8_hbm.at[idx_v], rows_v, sem).wait()

        def compute(i, carry2):
            q0 = (i // 8) * 256 + (i % 8) * 16 + iota
            q1 = q0 + 128
            ep = i * L + iota
            x0 = plsc.load_gather(rows_v, [q0, c0])
            y0 = plsc.load_gather(rows_v, [q0, c1])
            z0 = plsc.load_gather(rows_v, [q0, c2])
            x1 = plsc.load_gather(rows_v, [q1, c0])
            y1 = plsc.load_gather(rows_v, [q1, c1])
            z1 = plsc.load_gather(rows_v, [q1, c2])
            dx = x0 - x1
            dy = y0 - y1
            dz = z0 - z1
            sq = dx * dx + dy * dy + dz * dz
            w = jnp.maximum(_newton_sqrt(sq), jnp.float32(1e-8))
            w_v[pl.ds(i * L, L)] = w
            plsc.store_scatter(vec_v, [ep, c0], dx)
            plsc.store_scatter(vec_v, [ep, c1], dy)
            plsc.store_scatter(vec_v, [ep, c2], dz)
            return carry2

        lax.fori_loop(0, CHUNK // L, compute, 0, unroll=False)

        pltpu.sync_copy(idx_v, eiout_hbm.at[pl.ds(2 * base, 2 * CHUNK)])
        pltpu.sync_copy(w_v, w_hbm.at[pl.ds(base, CHUNK)])
        pltpu.sync_copy(vec_v, vec_hbm.at[pl.ds(base, CHUNK)])
        return carry

    lax.fori_loop(0, n_chunks, chunk_body, 0, unroll=False)


def _distance_sc(pos8, ei_phys):
    mesh = plsc.VectorSubcoreMesh(core_axis_name="c", subcore_axis_name="s")
    k = pl.kernel(
        _body,
        out_type=(
            jax.ShapeDtypeStruct((2 * M_EDGES,), jnp.int32),
            jax.ShapeDtypeStruct((M_EDGES,), jnp.float32),
            jax.ShapeDtypeStruct((M_EDGES, 3), jnp.float32),
        ),
        mesh=mesh,
        compiler_params=pltpu.CompilerParams(use_tc_tiling_on_sc=False,
                                             needs_layout_passes=False),
        scratch_types=[
            pltpu.VMEM((2 * CHUNK,), jnp.int32),
            pltpu.VMEM((2 * CHUNK, 8), jnp.float32),
            pltpu.VMEM((CHUNK, 3), jnp.float32),
            pltpu.VMEM((CHUNK,), jnp.float32),
            pltpu.SemaphoreType.DMA,
        ],
    )
    return k(pos8, ei_phys)


def kernel(pos, edge_index):
    pos8 = jnp.pad(pos, ((0, 0), (0, 5)))
    nb = M_EDGES // 128
    ei_phys = jnp.reshape(
        jnp.transpose(jnp.reshape(edge_index, (2, nb, 128)), (1, 0, 2)),
        (2 * M_EDGES,))
    eiout_phys, w, vec = _distance_sc(pos8, ei_phys)
    eiout = jnp.reshape(
        jnp.transpose(jnp.reshape(eiout_phys, (nb, 2, 128)), (1, 0, 2)),
        (2, M_EDGES))
    return (eiout, w, vec)

# --- scband reference (transcript-rebuilt; emitter-appended) ---
"""Pipeline reference for scband-distance-31602369364607 (READ-ONLY COPY).

The authoritative reference and input builder live on the scoring server;
editing this copy changes nothing except your own understanding.
"""

import jax, jax.numpy as jnp
import numpy as np

CUTOFF_LOWER = 0.0
CUTOFF_UPPER = 5.0
RETURN_VECS = True


def setup_inputs(seed: int = 0) -> dict:
    key = jax.random.key(seed)
    k1, k2 = jax.random.split(key)
    pos = jax.random.normal(k1, (100000, 3), dtype=jnp.float32)
    edge_index = jax.random.randint(k2, (2, 6400000), 0, 100000, dtype=jnp.int64 if jax.config.jax_enable_x64 else jnp.int32).astype(jnp.int32)
    return {"pos": pos, "edge_index": edge_index}


def reference(pos, edge_index):
    # data[f'{kind}_edge_index'] -> edge_index, data[f'{kind}_atom_pos'] -> pos
    ei0 = edge_index[0]
    ei1 = edge_index[1]
    edge_vec = jnp.take(pos, ei0, axis=0) - jnp.take(pos, ei1, axis=0)
    mask = ei0 != ei1
    # edge_weight = zeros; edge_weight[mask] = norm(edge_vec[mask])
    sq = jnp.sum(edge_vec * edge_vec, axis=-1)
    safe = jnp.where(mask, sq, 1.0)
    edge_weight = jnp.where(mask, jnp.sqrt(safe), 0.0)
    lower_mask = edge_weight >= CUTOFF_LOWER
    # With cutoff_lower=0.0, lower_mask is all True by construction (edge_weight
    # is nonnegative), so the filter keeps every edge and the output shapes are
    # fixed; express the selection as fixed-shape masked picks.
    edge_index_out = jnp.where(lower_mask[None, :], edge_index, 0)
    edge_weight_out = jnp.where(lower_mask, edge_weight, 0.0)
    edge_weight_out = jnp.maximum(edge_weight_out, 1e-08)  # torch .clamp(1e-08)
    if RETURN_VECS:
        edge_vec_out = jnp.where(lower_mask[:, None], edge_vec, 0.0)
        return (edge_index_out, edge_weight_out, edge_vec_out)
    return (edge_index_out, edge_weight_out, None)

if __name__ == "__main__":
    import jax
    _d = setup_inputs()
    print(jax.jit(kernel)(*tuple(_d.values())))

</pallas_src>

<mosaic_0001>
#map = affine_map<(d0, d1) -> (0, 0)>
#map1 = affine_map<(d0, d1) -> (0)>
module attributes {stable_mosaic.version = 14 : i64} {
  func.func @_body(%arg0: i32, %arg1: i32, %arg2: memref<100000x8xf32, #tpu.memory_space<hbm>>, %arg3: memref<12800000xi32, #tpu.memory_space<hbm>>, %arg4: memref<12800000xi32, #tpu.memory_space<hbm>>, %arg5: memref<6400000xf32, #tpu.memory_space<hbm>>, %arg6: memref<6400000x3xf32, #tpu.memory_space<hbm>>, %arg7: memref<4096xi32, #tpu.memory_space<vmem>>, %arg8: memref<4096x8xf32, #tpu.memory_space<vmem>>, %arg9: memref<2048x3xf32, #tpu.memory_space<vmem>>, %arg10: memref<2048xf32, #tpu.memory_space<vmem>>, %arg11: memref<!tpu.dma_semaphore, #tpu.memory_space<semaphore_mem>>) attributes {dimension_semantics = [#tpu.dimension_semantics<core_parallel>, #tpu.dimension_semantics<subcore_parallel>], iteration_bounds = array<i64: 2, 16>, scalar_prefetch = 0 : i64, scratch_operands = 5 : i64, tpu.core_type = #tpu.core_type<sc_vector_subcore>, window_params = [{transform_indices = #map}, {transform_indices = #map1}, {transform_indices = #map1}, {transform_indices = #map1}, {transform_indices = #map}]} {
    %mul3A = arith.constant 16 : i32
    %mul3A_0 = arith.muli %arg0, %mul3A : i32
    %add3A = arith.addi %mul3A_0, %arg1 : i32
    %lt3A = arith.constant 21 : i32
    %lt3A_1 = arith.cmpi slt, %add3A, %lt3A : i32
    %jit3A = arith.constant 1 : i32
    %jit3A_2 = arith.constant 0 : i32
    %select_n3A = arith.select %lt3A_1, %jit3A, %jit3A_2 : i32
    %add3A_3 = arith.constant 97 : i32
    %add3A_4 = arith.addi %add3A_3, %select_n3A : i32
    %iota3A = tpu.iota {dimensions = array<i32: 0>} : vector<16xi32>
    %broadcast_in_dim3A = arith.constant 0 : i32
    %broadcast_in_dim3A_5 = vector.broadcast %broadcast_in_dim3A : i32 to vector<16xi32>
    %broadcast_in_dim3A_6 = arith.constant 1 : i32
    %broadcast_in_dim3A_7 = vector.broadcast %broadcast_in_dim3A_6 : i32 to vector<16xi32>
    %broadcast_in_dim3A_8 = arith.constant 2 : i32
    %broadcast_in_dim3A_9 = vector.broadcast %broadcast_in_dim3A_8 : i32 to vector<16xi32>
    %while3A = arith.constant 0 : i32
    %while3A_10 = arith.constant 0 : i32
    %while3A_11 = arith.subi %add3A_4, %while3A_10 : i32
    %while3A_12 = arith.addi %while3A_10, %while3A_11 : i32
    %while3A_13 = arith.constant 1 : i32
    %while3A_14 = arith.divsi %while3A_11, %while3A_13 : i32
    %while3A_15 = arith.muli %while3A_14, %while3A_13 : i32
    %while3A_16 = arith.addi %while3A_10, %while3A_15 : i32
    %while3A_17 = arith.constant 1 : i32
    scf.for %while3A_19 = %while3A_10 to %while3A_16 step %while3A_17  : i32 {
      %mul3A_20 = arith.constant 32 : i32
      %mul3A_21 = arith.muli %while3A_19, %mul3A_20 : i32
      %add3A_22 = arith.addi %add3A, %mul3A_21 : i32
      %mul3A_23 = arith.constant 2048 : i32
      %mul3A_24 = arith.muli %add3A_22, %mul3A_23 : i32
      %mul3A_25 = arith.constant 2 : i32
      %mul3A_26 = arith.muli %mul3A_25, %mul3A_24 : i32
      "tpu.region"() ({
        %run_scoped3A = tpu.sem_alloc : memref<!tpu.dma_semaphore, #tpu.memory_space<semaphore_mem>>
        %dma_start3A_38 = tpu.memref_slice %arg3[%mul3A_26] : memref<12800000xi32, #tpu.memory_space<hbm>> -> memref<4096xi32, #tpu.memory_space<hbm>>
        %dma_start3A_39 = tpu.memref_slice %arg3[%mul3A_26] : memref<12800000xi32, #tpu.memory_space<hbm>> -> memref<4096xi32, #tpu.memory_space<hbm>>
        tpu.enqueue_dma source(%dma_start3A_39 : memref<4096xi32, #tpu.memory_space<hbm>>) target(%arg7 : memref<4096xi32, #tpu.memory_space<vmem>>) target_semaphore(%run_scoped3A : memref<!tpu.dma_semaphore, #tpu.memory_space<semaphore_mem>>)
        %dma_wait3A_40 = tpu.memref_slice %arg3[%mul3A_26] : memref<12800000xi32, #tpu.memory_space<hbm>> -> memref<4096xi32, #tpu.memory_space<hbm>>
        %dma_wait3A_41 = tpu.memref_slice %arg3[%mul3A_26] : memref<12800000xi32, #tpu.memory_space<hbm>> -> memref<4096xi32, #tpu.memory_space<hbm>>
        tpu.wait_dma2 semaphore(%run_scoped3A : memref<!tpu.dma_semaphore, #tpu.memory_space<semaphore_mem>>) src(%dma_wait3A_41 : memref<4096xi32, #tpu.memory_space<hbm>>) dst(%arg7 : memref<4096xi32, #tpu.memory_space<vmem>>)
        tpu.yield
      }) : () -> ()
      %dma_start3A = arith.constant 0 : i32
      %dma_start3A_27 = arith.constant 0 : i32
      %dma_start3A_28 = tpu.memref_slice %arg2[%dma_start3A, %dma_start3A_27] : memref<100000x8xf32, #tpu.memory_space<hbm>> -> memref<100000x8xf32, #tpu.memory_space<hbm>>
      tpu.enqueue_indirect_dma source(%dma_start3A_28 : memref<100000x8xf32, #tpu.memory_space<hbm>>) target(%arg8 : memref<4096x8xf32, #tpu.memory_space<vmem>>) offsets(%arg7 : memref<4096xi32, #tpu.memory_space<vmem>>) semaphore(%arg11 : memref<!tpu.dma_semaphore, #tpu.memory_space<semaphore_mem>>)
      %dma_wait3A = arith.constant 0 : i32
      %dma_wait3A_29 = arith.constant 0 : i32
      %dma_wait3A_30 = tpu.memref_slice %arg2[%dma_wait3A, %dma_wait3A_29] : memref<100000x8xf32, #tpu.memory_space<hbm>> -> memref<100000x8xf32, #tpu.memory_space<hbm>>
      tpu.wait_indirect_dma semaphore(%arg11 : memref<!tpu.dma_semaphore, #tpu.memory_space<semaphore_mem>>) src(%dma_wait3A_30 : memref<100000x8xf32, #tpu.memory_space<hbm>>) dst(%arg8 : memref<4096x8xf32, #tpu.memory_space<vmem>>)
      %scan3A = arith.constant 0 : i32
      %scan3A_31 = arith.constant 0 : i32
      %scan3A_32 = arith.constant 128 : i32
      %scan3A_33 = arith.addi %scan3A_31, %scan3A_32 : i32
      %scan3A_34 = arith.constant 1 : i32
      scf.for %scan3A_38 = %scan3A_31 to %scan3A_33 step %scan3A_34  : i32 {
        %jit3A_39 = arith.constant 8 : i32
        %div3A = arith.divsi %scan3A_38, %jit3A_39 : i32
        %sign3A = arith.constant 0 : i32
        %sign3A_40 = arith.cmpi sgt, %scan3A_38, %sign3A : i32
        %sign3A_41 = arith.extui %sign3A_40 : i1 to i32
        %sign3A_42 = arith.constant 0 : i32
        %sign3A_43 = arith.cmpi slt, %scan3A_38, %sign3A_42 : i32
        %sign3A_44 = arith.extui %sign3A_43 : i1 to i32
        %sign3A_45 = arith.subi %sign3A_41, %sign3A_44 : i32
        %sign3A_46 = arith.constant 0 : i32
        %sign3A_47 = arith.cmpi sgt, %jit3A_39, %sign3A_46 : i32
        %sign3A_48 = arith.extui %sign3A_47 : i1 to i32
        %sign3A_49 = arith.constant 0 : i32
        %sign3A_50 = arith.cmpi slt, %jit3A_39, %sign3A_49 : i32
        %sign3A_51 = arith.extui %sign3A_50 : i1 to i32
        %sign3A_52 = arith.subi %sign3A_48, %sign3A_51 : i32
        %ne3A = arith.cmpi ne, %sign3A_45, %sign3A_52 : i32
        %rem3A = arith.remsi %scan3A_38, %jit3A_39 : i32
        %ne3A_53 = arith.constant 0 : i32
        %ne3A_54 = arith.cmpi ne, %rem3A, %ne3A_53 : i32
        %and3A = arith.andi %ne3A, %ne3A_54 : i1
        %sub3A = arith.constant 1 : i32
        %sub3A_55 = arith.subi %div3A, %sub3A : i32
        %select_n3A_56 = arith.select %and3A, %sub3A_55, %div3A : i32
        %mul3A_57 = arith.constant 256 : i32
        %mul3A_58 = arith.muli %select_n3A_56, %mul3A_57 : i32
        %jit3A_59 = arith.constant 8 : i32
        %eq3A = arith.constant 0 : i32
        %eq3A_60 = arith.cmpi eq, %jit3A_59, %eq3A : i32
        %jit3A_61 = arith.constant 1 : i32
        %select_n3A_62 = arith.select %eq3A_60, %jit3A_61, %jit3A_59 : i32
        %rem3A_63 = arith.remsi %scan3A_38, %select_n3A_62 : i32
        %ne3A_64 = arith.constant 0 : i32
        %ne3A_65 = arith.cmpi ne, %rem3A_63, %ne3A_64 : i32
        %lt3A_66 = arith.constant 0 : i32
        %lt3A_67 = arith.cmpi slt, %rem3A_63, %lt3A_66 : i32
        %lt3A_68 = arith.constant 0 : i32
        %lt3A_69 = arith.cmpi slt, %select_n3A_62, %lt3A_68 : i32
        %ne3A_70 = arith.xori %lt3A_67, %lt3A_69 : i1
        %and3A_71 = arith.andi %ne3A_70, %ne3A_65 : i1
        %add3A_72 = arith.addi %rem3A_63, %select_n3A_62 : i32
        %select_n3A_73 = arith.select %and3A_71, %add3A_72, %rem3A_63 : i32
        %mul3A_74 = arith.constant 16 : i32
        %mul3A_75 = arith.muli %select_n3A_73, %mul3A_74 : i32
        %add3A_76 = arith.addi %mul3A_58, %mul3A_75 : i32
        %add3A_77 = vector.broadcast %add3A_76 : i32 to vector<16xi32>
        %add3A_78 = arith.addi %add3A_77, %iota3A : vector<16xi32>
        %add3A_79 = arith.constant 128 : i32
        %add3A_80 = vector.broadcast %add3A_79 : i32 to vector<16xi32>
        %add3A_81 = arith.addi %add3A_78, %add3A_80 : vector<16xi32>
        %mul3A_82 = arith.constant 16 : i32
        %mul3A_83 = arith.muli %scan3A_38, %mul3A_82 : i32
        %add3A_84 = vector.broadcast %mul3A_83 : i32 to vector<16xi32>
        %add3A_85 = arith.addi %add3A_84, %iota3A : vector<16xi32>
        %gather3A = tpu.vector_load_idx %arg8[%add3A_78, %broadcast_in_dim3A_5] : memref<4096x8xf32, #tpu.memory_space<vmem>>[vector<16xi32>, vector<16xi32>], vector<16xf32>,
        %gather3A_86 = tpu.vector_load_idx %arg8[%add3A_78, %broadcast_in_dim3A_7] : memref<4096x8xf32, #tpu.memory_space<vmem>>[vector<16xi32>, vector<16xi32>], vector<16xf32>,
        %gather3A_87 = tpu.vector_load_idx %arg8[%add3A_78, %broadcast_in_dim3A_9] : memref<4096x8xf32, #tpu.memory_space<vmem>>[vector<16xi32>, vector<16xi32>], vector<16xf32>,
        %gather3A_88 = tpu.vector_load_idx %arg8[%add3A_81, %broadcast_in_dim3A_5] : memref<4096x8xf32, #tpu.memory_space<vmem>>[vector<16xi32>, vector<16xi32>], vector<16xf32>,
        %gather3A_89 = tpu.vector_load_idx %arg8[%add3A_81, %broadcast_in_dim3A_7] : memref<4096x8xf32, #tpu.memory_space<vmem>>[vector<16xi32>, vector<16xi32>], vector<16xf32>,
        %gather3A_90 = tpu.vector_load_idx %arg8[%add3A_81, %broadcast_in_dim3A_9] : memref<4096x8xf32, #tpu.memory_space<vmem>>[vector<16xi32>, vector<16xi32>], vector<16xf32>,
        %sub3A_91 = arith.subf %gather3A, %gather3A_88 : vector<16xf32>
        %sub3A_92 = arith.subf %gather3A_86, %gather3A_89 : vector<16xf32>
        %sub3A_93 = arith.subf %gather3A_87, %gather3A_90 : vector<16xf32>
        %mul3A_94 = arith.mulf %sub3A_91, %sub3A_91 : vector<16xf32>
        %mul3A_95 = arith.mulf %sub3A_92, %sub3A_92 : vector<16xf32>
        %add3A_96 = arith.addf %mul3A_94, %mul3A_95 : vector<16xf32>
        %mul3A_97 = arith.mulf %sub3A_93, %sub3A_93 : vector<16xf32>
        %add3A_98 = arith.addf %add3A_96, %mul3A_97 : vector<16xf32>
        %bitcast3A = vector.bitcast %add3A_98 : vector<16xf32> to vector<16xi32>
        %shift_right_arithmetic3A = arith.constant 1 : i32
        %shift_right_arithmetic3A_99 = vector.broadcast %shift_right_arithmetic3A : i32 to vector<16xi32>
        %shift_right_arithmetic3A_100 = arith.shrsi %bitcast3A, %shift_right_arithmetic3A_99 : vector<16xi32>
        %sub3A_101 = arith.constant 1597463007 : i32
        %sub3A_102 = vector.broadcast %sub3A_101 : i32 to vector<16xi32>
        %sub3A_103 = arith.subi %sub3A_102, %shift_right_arithmetic3A_100 : vector<16xi32>
        %bitcast3A_104 = vector.bitcast %sub3A_103 : vector<16xi32> to vector<16xf32>
        %mul3A_105 = arith.constant 5.000000e-01 : f32
        %mul3A_106 = vector.broadcast %mul3A_105 : f32 to vector<16xf32>
        %mul3A_107 = arith.mulf %add3A_98, %mul3A_106 : vector<16xf32>
        %mul3A_108 = arith.mulf %mul3A_107, %bitcast3A_104 : vector<16xf32>
        %mul3A_109 = arith.mulf %mul3A_108, %bitcast3A_104 : vector<16xf32>
        %sub3A_110 = arith.constant 1.500000e+00 : f32
        %sub3A_111 = vector.broadcast %sub3A_110 : f32 to vector<16xf32>
        %sub3A_112 = arith.subf %sub3A_111, %mul3A_109 : vector<16xf32>
        %mul3A_113 = arith.mulf %bitcast3A_104, %sub3A_112 : vector<16xf32>
        %mul3A_114 = arith.mulf %mul3A_107, %mul3A_113 : vector<16xf32>
        %mul3A_115 = arith.mulf %mul3A_114, %mul3A_113 : vector<16xf32>
        %sub3A_116 = arith.constant 1.500000e+00 : f32
        %sub3A_117 = vector.broadcast %sub3A_116 : f32 to vector<16xf32>
        %sub3A_118 = arith.subf %sub3A_117, %mul3A_115 : vector<16xf32>
        %mul3A_119 = arith.mulf %mul3A_113, %sub3A_118 : vector<16xf32>
        %mul3A_120 = arith.mulf %add3A_98, %mul3A_119 : vector<16xf32>
        %max3A = arith.constant 9.99999993E-9 : f32
        %max3A_121 = vector.broadcast %max3A : f32 to vector<16xf32>
        %max3A_122 = arith.maximumf %mul3A_120, %max3A_121 : vector<16xf32>
        %mul3A_123 = arith.constant 16 : i32
        %mul3A_124 = arith.muli %scan3A_38, %mul3A_123 : i32
        %swap3A = arith.index_cast %mul3A_124 : i32 to index
        %swap3A_125 = tpu.vector_load %arg10[%swap3A] {strides = array<i32>} : memref<2048xf32, #tpu.memory_space<vmem>>, vector<16xf32>,
        tpu.vector_store %arg10[%swap3A], %max3A_122 {strides = array<i32>} : memref<2048xf32, #tpu.memory_space<vmem>>, vector<16xf32>,
        tpu.vector_store_idx %arg9[%add3A_85, %broadcast_in_dim3A_5], %sub3A_91 : memref<2048x3xf32, #tpu.memory_space<vmem>>[vector<16xi32>, vector<16xi32>], vector<16xf32>,
        tpu.vector_store_idx %arg9[%add3A_85, %broadcast_in_dim3A_7], %sub3A_92 : memref<2048x3xf32, #tpu.memory_space<vmem>>[vector<16xi32>, vector<16xi32>], vector<16xf32>,
        tpu.vector_store_idx %arg9[%add3A_85, %broadcast_in_dim3A_9], %sub3A_93 : memref<2048x3xf32, #tpu.memory_space<vmem>>[vector<16xi32>, vector<16xi32>], vector<16xf32>,
      }
      %scan3A_35 = arith.constant 128 : i32
      %mul3A_36 = arith.constant 2 : i32
      %mul3A_37 = arith.muli %mul3A_36, %mul3A_24 : i32
      "tpu.region"() ({
        %run_scoped3A = tpu.sem_alloc : memref<!tpu.dma_semaphore, #tpu.memory_space<semaphore_mem>>
        %dma_start3A_38 = tpu.memref_slice %arg4[%mul3A_37] : memref<12800000xi32, #tpu.memory_space<hbm>> -> memref<4096xi32, #tpu.memory_space<hbm>>
        %dma_start3A_39 = tpu.memref_slice %arg4[%mul3A_37] : memref<12800000xi32, #tpu.memory_space<hbm>> -> memref<4096xi32, #tpu.memory_space<hbm>>
        tpu.enqueue_dma source(%arg7 : memref<4096xi32, #tpu.memory_space<vmem>>) target(%dma_start3A_39 : memref<4096xi32, #tpu.memory_space<hbm>>) target_semaphore(%run_scoped3A : memref<!tpu.dma_semaphore, #tpu.memory_space<semaphore_mem>>)
        %dma_wait3A_40 = tpu.memref_slice %arg4[%mul3A_37] : memref<12800000xi32, #tpu.memory_space<hbm>> -> memref<4096xi32, #tpu.memory_space<hbm>>
        %dma_wait3A_41 = tpu.memref_slice %arg4[%mul3A_37] : memref<12800000xi32, #tpu.memory_space<hbm>> -> memref<4096xi32, #tpu.memory_space<hbm>>
        tpu.wait_dma2 semaphore(%run_scoped3A : memref<!tpu.dma_semaphore, #tpu.memory_space<semaphore_mem>>) src(%arg7 : memref<4096xi32, #tpu.memory_space<vmem>>) dst(%dma_wait3A_41 : memref<4096xi32, #tpu.memory_space<hbm>>)
        tpu.yield
      }) : () -> ()
      "tpu.region"() ({
        %run_scoped3A = tpu.sem_alloc : memref<!tpu.dma_semaphore, #tpu.memory_space<semaphore_mem>>
        %dma_start3A_38 = tpu.memref_slice %arg5[%mul3A_24] : memref<6400000xf32, #tpu.memory_space<hbm>> -> memref<2048xf32, #tpu.memory_space<hbm>>
        %dma_start3A_39 = tpu.memref_slice %arg5[%mul3A_24] : memref<6400000xf32, #tpu.memory_space<hbm>> -> memref<2048xf32, #tpu.memory_space<hbm>>
        tpu.enqueue_dma source(%arg10 : memref<2048xf32, #tpu.memory_space<vmem>>) target(%dma_start3A_39 : memref<2048xf32, #tpu.memory_space<hbm>>) target_semaphore(%run_scoped3A : memref<!tpu.dma_semaphore, #tpu.memory_space<semaphore_mem>>)
        %dma_wait3A_40 = tpu.memref_slice %arg5[%mul3A_24] : memref<6400000xf32, #tpu.memory_space<hbm>> -> memref<2048xf32, #tpu.memory_space<hbm>>
        %dma_wait3A_41 = tpu.memref_slice %arg5[%mul3A_24] : memref<6400000xf32, #tpu.memory_space<hbm>> -> memref<2048xf32, #tpu.memory_space<hbm>>
        tpu.wait_dma2 semaphore(%run_scoped3A : memref<!tpu.dma_semaphore, #tpu.memory_space<semaphore_mem>>) src(%arg10 : memref<2048xf32, #tpu.memory_space<vmem>>) dst(%dma_wait3A_41 : memref<2048xf32, #tpu.memory_space<hbm>>)
        tpu.yield
      }) : () -> ()
      "tpu.region"() ({
        %run_scoped3A = tpu.sem_alloc : memref<!tpu.dma_semaphore, #tpu.memory_space<semaphore_mem>>
        %dma_start3A_38 = arith.constant 0 : i32
        %dma_start3A_39 = tpu.memref_slice %arg6[%mul3A_24, %dma_start3A_38] : memref<6400000x3xf32, #tpu.memory_space<hbm>> -> memref<2048x3xf32, #tpu.memory_space<hbm>>
        %dma_start3A_40 = arith.constant 0 : i32
        %dma_start3A_41 = tpu.memref_slice %arg6[%mul3A_24, %dma_start3A_40] : memref<6400000x3xf32, #tpu.memory_space<hbm>> -> memref<2048x3xf32, #tpu.memory_space<hbm>>
        tpu.enqueue_dma source(%arg9 : memref<2048x3xf32, #tpu.memory_space<vmem>>) target(%dma_start3A_41 : memref<2048x3xf32, #tpu.memory_space<hbm>>) target_semaphore(%run_scoped3A : memref<!tpu.dma_semaphore, #tpu.memory_space<semaphore_mem>>)
        %dma_wait3A_42 = arith.constant 0 : i32
        %dma_wait3A_43 = tpu.memref_slice %arg6[%mul3A_24, %dma_wait3A_42] : memref<6400000x3xf32, #tpu.memory_space<hbm>> -> memref<2048x3xf32, #tpu.memory_space<hbm>>
        %dma_wait3A_44 = arith.constant 0 : i32
        %dma_wait3A_45 = tpu.memref_slice %arg6[%mul3A_24, %dma_wait3A_44] : memref<6400000x3xf32, #tpu.memory_space<hbm>> -> memref<2048x3xf32, #tpu.memory_space<hbm>>
        tpu.wait_dma2 semaphore(%run_scoped3A : memref<!tpu.dma_semaphore, #tpu.memory_space<semaphore_mem>>) src(%arg9 : memref<2048x3xf32, #tpu.memory_space<vmem>>) dst(%dma_wait3A_45 : memref<2048x3xf32, #tpu.memory_space<hbm>>)
        tpu.yield
      }) : () -> ()
    }
    %while3A_18 = arith.constant 1 : i32
    scf.for %while3A_19 = %while3A_16 to %while3A_12 step %while3A_18  : i32 {
      %mul3A_20 = arith.constant 32 : i32
      %mul3A_21 = arith.muli %while3A_19, %mul3A_20 : i32
      %add3A_22 = arith.addi %add3A, %mul3A_21 : i32
      %mul3A_23 = arith.constant 2048 : i32
      %mul3A_24 = arith.muli %add3A_22, %mul3A_23 : i32
      %mul3A_25 = arith.constant 2 : i32
      %mul3A_26 = arith.muli %mul3A_25, %mul3A_24 : i32
      "tpu.region"() ({
        %run_scoped3A = tpu.sem_alloc : memref<!tpu.dma_semaphore, #tpu.memory_space<semaphore_mem>>
        %dma_start3A_38 = tpu.memref_slice %arg3[%mul3A_26] : memref<12800000xi32, #tpu.memory_space<hbm>> -> memref<4096xi32, #tpu.memory_space<hbm>>
        %dma_start3A_39 = tpu.memref_slice %arg3[%mul3A_26] : memref<12800000xi32, #tpu.memory_space<hbm>> -> memref<4096xi32, #tpu.memory_space<hbm>>
        tpu.enqueue_dma source(%dma_start3A_39 : memref<4096xi32, #tpu.memory_space<hbm>>) target(%arg7 : memref<4096xi32, #tpu.memory_space<vmem>>) target_semaphore(%run_scoped3A : memref<!tpu.dma_semaphore, #tpu.memory_space<semaphore_mem>>)
        %dma_wait3A_40 = tpu.memref_slice %arg3[%mul3A_26] : memref<12800000xi32, #tpu.memory_space<hbm>> -> memref<4096xi32, #tpu.memory_space<hbm>>
        %dma_wait3A_41 = tpu.memref_slice %arg3[%mul3A_26] : memref<12800000xi32, #tpu.memory_space<hbm>> -> memref<4096xi32, #tpu.memory_space<hbm>>
        tpu.wait_dma2 semaphore(%run_scoped3A : memref<!tpu.dma_semaphore, #tpu.memory_space<semaphore_mem>>) src(%dma_wait3A_41 : memref<4096xi32, #tpu.memory_space<hbm>>) dst(%arg7 : memref<4096xi32, #tpu.memory_space<vmem>>)
        tpu.yield
      }) : () -> ()
      %dma_start3A = arith.constant 0 : i32
      %dma_start3A_27 = arith.constant 0 : i32
      %dma_start3A_28 = tpu.memref_slice %arg2[%dma_start3A, %dma_start3A_27] : memref<100000x8xf32, #tpu.memory_space<hbm>> -> memref<100000x8xf32, #tpu.memory_space<hbm>>
      tpu.enqueue_indirect_dma source(%dma_start3A_28 : memref<100000x8xf32, #tpu.memory_space<hbm>>) target(%arg8 : memref<4096x8xf32, #tpu.memory_space<vmem>>) offsets(%arg7 : memref<4096xi32, #tpu.memory_space<vmem>>) semaphore(%arg11 : memref<!tpu.dma_semaphore, #tpu.memory_space<semaphore_mem>>)
      %dma_wait3A = arith.constant 0 : i32
      %dma_wait3A_29 = arith.constant 0 : i32
      %dma_wait3A_30 = tpu.memref_slice %arg2[%dma_wait3A, %dma_wait3A_29] : memref<100000x8xf32, #tpu.memory_space<hbm>> -> memref<100000x8xf32, #tpu.memory_space<hbm>>
      tpu.wait_indirect_dma semaphore(%arg11 : memref<!tpu.dma_semaphore, #tpu.memory_space<semaphore_mem>>) src(%dma_wait3A_30 : memref<100000x8xf32, #tpu.memory_space<hbm>>) dst(%arg8 : memref<4096x8xf32, #tpu.memory_space<vmem>>)
      %scan3A = arith.constant 0 : i32
      %scan3A_31 = arith.constant 0 : i32
      %scan3A_32 = arith.constant 128 : i32
      %scan3A_33 = arith.addi %scan3A_31, %scan3A_32 : i32
      %scan3A_34 = arith.constant 1 : i32
      scf.for %scan3A_38 = %scan3A_31 to %scan3A_33 step %scan3A_34  : i32 {
        %jit3A_39 = arith.constant 8 : i32
        %div3A = arith.divsi %scan3A_38, %jit3A_39 : i32
        %sign3A = arith.constant 0 : i32
        %sign3A_40 = arith.cmpi sgt, %scan3A_38, %sign3A : i32
        %sign3A_41 = arith.extui %sign3A_40 : i1 to i32
        %sign3A_42 = arith.constant 0 : i32
        %sign3A_43 = arith.cmpi slt, %scan3A_38, %sign3A_42 : i32
        %sign3A_44 = arith.extui %sign3A_43 : i1 to i32
        %sign3A_45 = arith.subi %sign3A_41, %sign3A_44 : i32
        %sign3A_46 = arith.constant 0 : i32
        %sign3A_47 = arith.cmpi sgt, %jit3A_39, %sign3A_46 : i32
        %sign3A_48 = arith.extui %sign3A_47 : i1 to i32
        %sign3A_49 = arith.constant 0 : i32
        %sign3A_50 = arith.cmpi slt, %jit3A_39, %sign3A_49 : i32
        %sign3A_51 = arith.extui %sign3A_50 : i1 to i32
        %sign3A_52 = arith.subi %sign3A_48, %sign3A_51 : i32
        %ne3A = arith.cmpi ne, %sign3A_45, %sign3A_52 : i32
        %rem3A = arith.remsi %scan3A_38, %jit3A_39 : i32
        %ne3A_53 = arith.constant 0 : i32
        %ne3A_54 = arith.cmpi ne, %rem3A, %ne3A_53 : i32
        %and3A = arith.andi %ne3A, %ne3A_54 : i1
        %sub3A = arith.constant 1 : i32
        %sub3A_55 = arith.subi %div3A, %sub3A : i32
        %select_n3A_56 = arith.select %and3A, %sub3A_55, %div3A : i32
        %mul3A_57 = arith.constant 256 : i32
        %mul3A_58 = arith.muli %select_n3A_56, %mul3A_57 : i32
        %jit3A_59 = arith.constant 8 : i32
        %eq3A = arith.constant 0 : i32
        %eq3A_60 = arith.cmpi eq, %jit3A_59, %eq3A : i32
        %jit3A_61 = arith.constant 1 : i32
        %select_n3A_62 = arith.select %eq3A_60, %jit3A_61, %jit3A_59 : i32
        %rem3A_63 = arith.remsi %scan3A_38, %select_n3A_62 : i32
        %ne3A_64 = arith.constant 0 : i32
        %ne3A_65 = arith.cmpi ne, %rem3A_63, %ne3A_64 : i32
        %lt3A_66 = arith.constant 0 : i32
        %lt3A_67 = arith.cmpi slt, %rem3A_63, %lt3A_66 : i32
        %lt3A_68 = arith.constant 0 : i32
        %lt3A_69 = arith.cmpi slt, %select_n3A_62, %lt3A_68 : i32
        %ne3A_70 = arith.xori %lt3A_67, %lt3A_69 : i1
        %and3A_71 = arith.andi %ne3A_70, %ne3A_65 : i1
        %add3A_72 = arith.addi %rem3A_63, %select_n3A_62 : i32
        %select_n3A_73 = arith.select %and3A_71, %add3A_72, %rem3A_63 : i32
        %mul3A_74 = arith.constant 16 : i32
        %mul3A_75 = arith.muli %select_n3A_73, %mul3A_74 : i32
        %add3A_76 = arith.addi %mul3A_58, %mul3A_75 : i32
        %add3A_77 = vector.broadcast %add3A_76 : i32 to vector<16xi32>
        %add3A_78 = arith.addi %add3A_77, %iota3A : vector<16xi32>
        %add3A_79 = arith.constant 128 : i32
        %add3A_80 = vector.broadcast %add3A_79 : i32 to vector<16xi32>
        %add3A_81 = arith.addi %add3A_78, %add3A_80 : vector<16xi32>
        %mul3A_82 = arith.constant 16 : i32
        %mul3A_83 = arith.muli %scan3A_38, %mul3A_82 : i32
        %add3A_84 = vector.broadcast %mul3A_83 : i32 to vector<16xi32>
        %add3A_85 = arith.addi %add3A_84, %iota3A : vector<16xi32>
        %gather3A = tpu.vector_load_idx %arg8[%add3A_78, %broadcast_in_dim3A_5] : memref<4096x8xf32, #tpu.memory_space<vmem>>[vector<16xi32>, vector<16xi32>], vector<16xf32>,
        %gather3A_86 = tpu.vector_load_idx %arg8[%add3A_78, %broadcast_in_dim3A_7] : memref<4096x8xf32, #tpu.memory_space<vmem>>[vector<16xi32>, vector<16xi32>], vector<16xf32>,
        %gather3A_87 = tpu.vector_load_idx %arg8[%add3A_78, %broadcast_in_dim3A_9] : memref<4096x8xf32, #tpu.memory_space<vmem>>[vector<16xi32>, vector<16xi32>], vector<16xf32>,
        %gather3A_88 = tpu.vector_load_idx %arg8[%add3A_81, %broadcast_in_dim3A_5] : memref<4096x8xf32, #tpu.memory_space<vmem>>[vector<16xi32>, vector<16xi32>], vector<16xf32>,
        %gather3A_89 = tpu.vector_load_idx %arg8[%add3A_81, %broadcast_in_dim3A_7] : memref<4096x8xf32, #tpu.memory_space<vmem>>[vector<16xi32>, vector<16xi32>], vector<16xf32>,
        %gather3A_90 = tpu.vector_load_idx %arg8[%add3A_81, %broadcast_in_dim3A_9] : memref<4096x8xf32, #tpu.memory_space<vmem>>[vector<16xi32>, vector<16xi32>], vector<16xf32>,
        %sub3A_91 = arith.subf %gather3A, %gather3A_88 : vector<16xf32>
        %sub3A_92 = arith.subf %gather3A_86, %gather3A_89 : vector<16xf32>
        %sub3A_93 = arith.subf %gather3A_87, %gather3A_90 : vector<16xf32>
        %mul3A_94 = arith.mulf %sub3A_91, %sub3A_91 : vector<16xf32>
        %mul3A_95 = arith.mulf %sub3A_92, %sub3A_92 : vector<16xf32>
        %add3A_96 = arith.addf %mul3A_94, %mul3A_95 : vector<16xf32>
        %mul3A_97 = arith.mulf %sub3A_93, %sub3A_93 : vector<16xf32>
        %add3A_98 = arith.addf %add3A_96, %mul3A_97 : vector<16xf32>
        %bitcast3A = vector.bitcast %add3A_98 : vector<16xf32> to vector<16xi32>
        %shift_right_arithmetic3A = arith.constant 1 : i32
        %shift_right_arithmetic3A_99 = vector.broadcast %shift_right_arithmetic3A : i32 to vector<16xi32>
        %shift_right_arithmetic3A_100 = arith.shrsi %bitcast3A, %shift_right_arithmetic3A_99 : vector<16xi32>
        %sub3A_101 = arith.constant 1597463007 : i32
        %sub3A_102 = vector.broadcast %sub3A_101 : i32 to vector<16xi32>
        %sub3A_103 = arith.subi %sub3A_102, %shift_right_arithmetic3A_100 : vector<16xi32>
        %bitcast3A_104 = vector.bitcast %sub3A_103 : vector<16xi32> to vector<16xf32>
        %mul3A_105 = arith.constant 5.000000e-01 : f32
        %mul3A_106 = vector.broadcast %mul3A_105 : f32 to vector<16xf32>
        %mul3A_107 = arith.mulf %add3A_98, %mul3A_106 : vector<16xf32>
        %mul3A_108 = arith.mulf %mul3A_107, %bitcast3A_104 : vector<16xf32>
        %mul3A_109 = arith.mulf %mul3A_108, %bitcast3A_104 : vector<16xf32>
        %sub3A_110 = arith.constant 1.500000e+00 : f32
        %sub3A_111 = vector.broadcast %sub3A_110 : f32 to vector<16xf32>
        %sub3A_112 = arith.subf %sub3A_111, %mul3A_109 : vector<16xf32>
        %mul3A_113 = arith.mulf %bitcast3A_104, %sub3A_112 : vector<16xf32>
        %mul3A_114 = arith.mulf %mul3A_107, %mul3A_113 : vector<16xf32>
        %mul3A_115 = arith.mulf %mul3A_114, %mul3A_113 : vector<16xf32>
        %sub3A_116 = arith.constant 1.500000e+00 : f32
        %sub3A_117 = vector.broadcast %sub3A_116 : f32 to vector<16xf32>
        %sub3A_118 = arith.subf %sub3A_117, %mul3A_115 : vector<16xf32>
        %mul3A_119 = arith.mulf %mul3A_113, %sub3A_118 : vector<16xf32>
        %mul3A_120 = arith.mulf %add3A_98, %mul3A_119 : vector<16xf32>
        %max3A = arith.constant 9.99999993E-9 : f32
        %max3A_121 = vector.broadcast %max3A : f32 to vector<16xf32>
        %max3A_122 = arith.maximumf %mul3A_120, %max3A_121 : vector<16xf32>
        %mul3A_123 = arith.constant 16 : i32
        %mul3A_124 = arith.muli %scan3A_38, %mul3A_123 : i32
        %swap3A = arith.index_cast %mul3A_124 : i32 to index
        %swap3A_125 = tpu.vector_load %arg10[%swap3A] {strides = array<i32>} : memref<2048xf32, #tpu.memory_space<vmem>>, vector<16xf32>,
        tpu.vector_store %arg10[%swap3A], %max3A_122 {strides = array<i32>} : memref<2048xf32, #tpu.memory_space<vmem>>, vector<16xf32>,
        tpu.vector_store_idx %arg9[%add3A_85, %broadcast_in_dim3A_5], %sub3A_91 : memref<2048x3xf32, #tpu.memory_space<vmem>>[vector<16xi32>, vector<16xi32>], vector<16xf32>,
        tpu.vector_store_idx %arg9[%add3A_85, %broadcast_in_dim3A_7], %sub3A_92 : memref<2048x3xf32, #tpu.memory_space<vmem>>[vector<16xi32>, vector<16xi32>], vector<16xf32>,
        tpu.vector_store_idx %arg9[%add3A_85, %broadcast_in_dim3A_9], %sub3A_93 : memref<2048x3xf32, #tpu.memory_space<vmem>>[vector<16xi32>, vector<16xi32>], vector<16xf32>,
      }
      %scan3A_35 = arith.constant 128 : i32
      %mul3A_36 = arith.constant 2 : i32
      %mul3A_37 = arith.muli %mul3A_36, %mul3A_24 : i32
      "tpu.region"() ({
        %run_scoped3A = tpu.sem_alloc : memref<!tpu.dma_semaphore, #tpu.memory_space<semaphore_mem>>
        %dma_start3A_38 = tpu.memref_slice %arg4[%mul3A_37] : memref<12800000xi32, #tpu.memory_space<hbm>> -> memref<4096xi32, #tpu.memory_space<hbm>>
        %dma_start3A_39 = tpu.memref_slice %arg4[%mul3A_37] : memref<12800000xi32, #tpu.memory_space<hbm>> -> memref<4096xi32, #tpu.memory_space<hbm>>
        tpu.enqueue_dma source(%arg7 : memref<4096xi32, #tpu.memory_space<vmem>>) target(%dma_start3A_39 : memref<4096xi32, #tpu.memory_space<hbm>>) target_semaphore(%run_scoped3A : memref<!tpu.dma_semaphore, #tpu.memory_space<semaphore_mem>>)
        %dma_wait3A_40 = tpu.memref_slice %arg4[%mul3A_37] : memref<12800000xi32, #tpu.memory_space<hbm>> -> memref<4096xi32, #tpu.memory_space<hbm>>
        %dma_wait3A_41 = tpu.memref_slice %arg4[%mul3A_37] : memref<12800000xi32, #tpu.memory_space<hbm>> -> memref<4096xi32, #tpu.memory_space<hbm>>
        tpu.wait_dma2 semaphore(%run_scoped3A : memref<!tpu.dma_semaphore, #tpu.memory_space<semaphore_mem>>) src(%arg7 : memref<4096xi32, #tpu.memory_space<vmem>>) dst(%dma_wait3A_41 : memref<4096xi32, #tpu.memory_space<hbm>>)
        tpu.yield
      }) : () -> ()
      "tpu.region"() ({
        %run_scoped3A = tpu.sem_alloc : memref<!tpu.dma_semaphore, #tpu.memory_space<semaphore_mem>>
        %dma_start3A_38 = tpu.memref_slice %arg5[%mul3A_24] : memref<6400000xf32, #tpu.memory_space<hbm>> -> memref<2048xf32, #tpu.memory_space<hbm>>
        %dma_start3A_39 = tpu.memref_slice %arg5[%mul3A_24] : memref<6400000xf32, #tpu.memory_space<hbm>> -> memref<2048xf32, #tpu.memory_space<hbm>>
        tpu.enqueue_dma source(%arg10 : memref<2048xf32, #tpu.memory_space<vmem>>) target(%dma_start3A_39 : memref<2048xf32, #tpu.memory_space<hbm>>) target_semaphore(%run_scoped3A : memref<!tpu.dma_semaphore, #tpu.memory_space<semaphore_mem>>)
        %dma_wait3A_40 = tpu.memref_slice %arg5[%mul3A_24] : memref<6400000xf32, #tpu.memory_space<hbm>> -> memref<2048xf32, #tpu.memory_space<hbm>>
        %dma_wait3A_41 = tpu.memref_slice %arg5[%mul3A_24] : memref<6400000xf32, #tpu.memory_space<hbm>> -> memref<2048xf32, #tpu.memory_space<hbm>>
        tpu.wait_dma2 semaphore(%run_scoped3A : memref<!tpu.dma_semaphore, #tpu.memory_space<semaphore_mem>>) src(%arg10 : memref<2048xf32, #tpu.memory_space<vmem>>) dst(%dma_wait3A_41 : memref<2048xf32, #tpu.memory_space<hbm>>)
        tpu.yield
      }) : () -> ()
      "tpu.region"() ({
        %run_scoped3A = tpu.sem_alloc : memref<!tpu.dma_semaphore, #tpu.memory_space<semaphore_mem>>
        %dma_start3A_38 = arith.constant 0 : i32
        %dma_start3A_39 = tpu.memref_slice %arg6[%mul3A_24, %dma_start3A_38] : memref<6400000x3xf32, #tpu.memory_space<hbm>> -> memref<2048x3xf32, #tpu.memory_space<hbm>>
        %dma_start3A_40 = arith.constant 0 : i32
        %dma_start3A_41 = tpu.memref_slice %arg6[%mul3A_24, %dma_start3A_40] : memref<6400000x3xf32, #tpu.memory_space<hbm>> -> memref<2048x3xf32, #tpu.memory_space<hbm>>
        tpu.enqueue_dma source(%arg9 : memref<2048x3xf32, #tpu.memory_space<vmem>>) target(%dma_start3A_41 : memref<2048x3xf32, #tpu.memory_space<hbm>>) target_semaphore(%run_scoped3A : memref<!tpu.dma_semaphore, #tpu.memory_space<semaphore_mem>>)
        %dma_wait3A_42 = arith.constant 0 : i32
        %dma_wait3A_43 = tpu.memref_slice %arg6[%mul3A_24, %dma_wait3A_42] : memref<6400000x3xf32, #tpu.memory_space<hbm>> -> memref<2048x3xf32, #tpu.memory_space<hbm>>
        %dma_wait3A_44 = arith.constant 0 : i32
        %dma_wait3A_45 = tpu.memref_slice %arg6[%mul3A_24, %dma_wait3A_44] : memref<6400000x3xf32, #tpu.memory_space<hbm>> -> memref<2048x3xf32, #tpu.memory_space<hbm>>
        tpu.wait_dma2 semaphore(%run_scoped3A : memref<!tpu.dma_semaphore, #tpu.memory_space<semaphore_mem>>) src(%arg9 : memref<2048x3xf32, #tpu.memory_space<vmem>>) dst(%dma_wait3A_45 : memref<2048x3xf32, #tpu.memory_space<hbm>>)
        tpu.yield
      }) : () -> ()
    }
    return
  }
}

</mosaic_0001>

<sc_bundles>
// kernel: kernel.3.cloned.1.call-start
scs
__scs_entry_jumppad:
0x0: {  	(pc) =	sbr.rel $0x88, $3  }
0x1: {  	(tag) =	ssettag $0x0;
	lr =	simm.s32 $0x1  }
0x2: {  	[smem:$0x3F9F] =	sst lr;
	_ =	strace $0xD0000000  }
0x3: {  	_ = 	snop  }
0x4: {  	_ = 	snop  }
0x5: {  	_ = 	snop  }
0x6: {  	_ = 	snop  }
0x7: {  	_ = 	snop  }
__scs_overlays_trampoline_lowered:
0x8: {  	[smem:$0x3FAE] =	sst s0  }
0x9: {  	[smem:$0x3FAF] =	sst s1  }
0xa: {  	[smem:$0x3FB0] =	sst s2  }
0xb: {  	[smem:$0x3FB1] =	sst s3  }
0xc: {  	[smem:$0x3FB2] =	sst s4  }
0xd: {  	[smem:$0x3FB3] =	sst s5  }
0xe: {  	[smem:$0x3FB4] =	sst s6  }
0xf: {  	[smem:$0x3FB5] =	sst s7  }
0x10: {  	[smem:$0x3FB6] =	sst s8  }
0x11: {  	[smem:$0x3FB7] =	sst s9;
	s0 =	simm.s32 @!p0 $0x0  }
0x12: {  	s1 =	sld [smem:$0x3F9D];
	s0 =	simm.s32 @p0 $0x1  }
0x13: {  	[smem:$0x3FB8] =	sst s0;
	s0 =	simm.s32 @!p1 $0x0  }
0x14: {  	s2 =	sld [smem:$0x3F9C];
	s0 =	simm.s32 @p1 $0x1  }
0x15: {  	[smem:$0x3FB9] =	sst s0;
	s0 =	simm.s32 @!p2 $0x0  }
0x16: {  	s3 =	sld [smem:$0x3FDB];
	s0 =	simm.s32 @p2 $0x1  }
0x17: {  	s4 =	simm.s32 $0x1BF5;
	[smem:$0x3FBB] =	sst s0  }
0x18: {  	s0 =	sld [smem:$0x3F9E];
	_ =	swait.ge [sflag:s4], $0x0  }
0x19: {  	s7 =	sld [smem:$0x3F9F]  }
0x1a: {  	s8 =	sadd.s32 $0xFFFFE003, lr  }
0x1b: {  	s9 =	sadd.s32 $0xFFFFFEF7, lr;
	s5 =	simm.s32 $0xFFFFFFFF;
	p2 =	slt.u32 s8, $0xFFFFF086  }
0x1c: {  	p1 =	slt.u32 s9, $0xF7A;
	s5 =	simm.s32 @!p2 $0x0  }
0x1d: {  	s5 =	simm.s32 @p1 $0x1;
	p0 =	seq.s32 s7, s2  }
0x1e: {  	s7 =	smul.u32 @!p0 $0xF7A, s2;
	p2 =	seq.s32 @!p0 s5, $0x0  }
0x1f: {  	s9 =	smul.u32 $0xF7A, s1;
	s8 =	simm.s32 @!p0 $0x1BF5;
	p2 =	por !p2, p0  }
0x20: {  	[sflag:s8] =	ssyncset.s32 @!p0 $0xFFFFF086;
	s6 =	sadd.s32 @!p0 s3, s7;
	s7 =	simm.s32 @!p0 $0x108  }
0x21: {  	s3 =	sadd.s32 s3, s9;
	s6 =	sadd.s32 @!p0 $0x88, s6;
	s7 =	simm.s32 @p2 $0x1082  }
0x22: {  	[simem:s7], [sflag:s8] =	dma.local @!p0 [hbm:s6], $0xF7A  }
0x23: {  	s9 =	sor.u32 $0xD0000000, s2;
	s6 =	simm.s32 $0x108;
	_ =	swait.ge @!p0 [sflag:s8], $0x0  }
0x24: {  	s3 =	sadd.s32 $0x88, s3;
	s6 =	simm.s32 @!p1 $0x1082;
	[sflag:s4] =	ssyncset.s32 $0xFFFFF086  }
0x25: {  	[simem:s6], [sflag:s4] =	dma.local [hbm:s3], $0xF7A  }
0x26: {  	[smem:$0x3F9F] =	sst s1;
	(tag) =	ssettag s2;
	_ =	strace s9  }
0x27: {  	s1 =	sld [smem:$0x3FAF]  }
0x28: {  	s2 =	sld [smem:$0x3FB0]  }
0x29: {  	s4 =	sld [smem:$0x3FB2]  }
0x2a: {  	p0 =	seq.s32 s5, $0x0;
	s5 =	sld [smem:$0x3FB3]  }
0x2b: {  	s6 =	sld [smem:$0x3FB4]  }
0x2c: {  	s7 =	sld [smem:$0x3FB5]  }
0x2d: {  	s3 =	simm.s32 $0x108;
	s8 =	sld [smem:$0x3FB6]  }
0x2e: {  	s3 =	simm.s32 @!p0 $0x1082;
	s9 =	sld [smem:$0x3FB7]  }
0x2f: {  	lr =	sadd.s32 s0, s3;
	s0 =	sld [smem:$0x3FAE]  }
0x30: {  	s3 =	sld [smem:$0x3FB1]  }
0x31: {  	[smem:$0x3FBA] =	sst s10  }
0x32: {  	s10 =	sld [smem:$0x3FB8];
	_ =	sdelay $0x3  }
0x33: {  	p0 =	seq.s32 s10, $0x1;
	s10 =	sld [smem:$0x3FBA];
	_ =	sdelay $0x3  }
0x34: {  	[smem:$0x3FBA] =	sst s10  }
0x35: {  	s10 =	sld [smem:$0x3FB9];
	_ =	sdelay $0x3  }
0x36: {  	p1 =	seq.s32 s10, $0x1;
	s10 =	sld [smem:$0x3FBA];
	_ =	sdelay $0x3  }
0x37: {  	[smem:$0x3FBA] =	sst s10  }
0x38: {  	s10 =	sld [smem:$0x3FBB]  }
0x39: {  	_ = 	snop;
	(pc) =	sbr.ind lr, $3  }
0x3a: {  	_ = 	snop  }
0x3b: {  	_ = 	snop  }
0x3c: {  	p2 =	seq.s32 s10, $0x1;
	s10 =	sld [smem:$0x3FBA]  }
0x3d: {  	_ =	shalt  }
0x3e: {  	_ =	shalt  }
0x3f: {  	_ =	shalt  }
0x40: {  	_ =	shalt  }
0x41: {  	_ =	shalt  }
0x42: {  	_ =	shalt  }
0x43: {  	_ =	shalt  }
0x44: {  	_ =	shalt  }
0x45: {  	_ =	shalt  }
0x46: {  	_ =	shalt  }
0x47: {  	_ =	shalt  }
0x48: {  	_ =	shalt  }
0x49: {  	_ =	shalt  }
0x4a: {  	_ =	shalt  }
0x4b: {  	_ =	shalt  }
0x4c: {  	_ =	shalt  }
0x4d: {  	_ =	shalt  }
0x4e: {  	_ =	shalt  }
0x4f: {  	_ =	shalt  }
0x50: {  	_ =	shalt  }
0x51: {  	_ =	shalt  }
0x52: {  	_ =	shalt  }
0x53: {  	_ =	shalt  }
0x54: {  	_ =	shalt  }
0x55: {  	_ =	shalt  }
0x56: {  	_ =	shalt  }
0x57: {  	_ =	shalt  }
0x58: {  	_ =	shalt  }
0x59: {  	_ =	shalt  }
0x5a: {  	_ =	shalt  }
0x5b: {  	_ =	shalt  }
0x5c: {  	_ =	shalt  }
0x5d: {  	_ =	shalt  }
0x5e: {  	_ =	shalt  }
0x5f: {  	_ =	shalt  }
0x60: {  	_ =	shalt  }
0x61: {  	_ =	shalt  }
0x62: {  	_ =	shalt  }
0x63: {  	_ =	shalt  }
0x64: {  	_ =	shalt  }
0x65: {  	_ =	shalt  }
0x66: {  	_ =	shalt  }
0x67: {  	_ =	shalt  }
0x68: {  	_ =	shalt  }
0x69: {  	_ =	shalt  }
0x6a: {  	_ =	shalt  }
0x6b: {  	_ =	shalt  }
0x6c: {  	_ =	shalt  }
0x6d: {  	_ =	shalt  }
0x6e: {  	_ =	shalt  }
0x6f: {  	_ =	shalt  }
0x70: {  	_ =	shalt  }
0x71: {  	_ =	shalt  }
0x72: {  	_ =	shalt  }
0x73: {  	_ =	shalt  }
0x74: {  	_ =	shalt  }
0x75: {  	_ =	shalt  }
0x76: {  	_ =	shalt  }
0x77: {  	_ =	shalt  }
0x78: {  	_ =	shalt  }
0x79: {  	_ =	shalt  }
0x7a: {  	_ =	shalt  }
0x7b: {  	_ =	shalt  }
0x7c: {  	_ =	shalt  }
0x7d: {  	_ =	shalt  }
0x7e: {  	_ =	shalt  }
0x7f: {  	_ =	shalt  }
0x80: {  	_ =	shalt  }
0x81: {  	_ =	shalt  }
0x82: {  	_ =	shalt  }
0x83: {  	_ =	shalt  }
0x84: {  	_ =	shalt  }
0x85: {  	_ =	shalt  }
0x86: {  	_ =	shalt  }
0x87: {  	_ =	shalt  }
.Lfunc_end0:
.L_simem_size_0:
called_computation.1_lowered:
.L_overlay_start_0:
0x88: {  	s2 =	sld [smem:$0x3FD9]  }
0x89: {  	s3 =	sld [smem:$0x3FFE];
	_ =	sdelay $0x1  }
0x8a: {  	s1 =	srdreg.scid  }
0x8b: {  	s0 =	sand.u32 $0x1, s1  }
0x8c: {  	s14 =	sshll.u32 s0, $0xA;
	s2 =	sadd.s32 s3, s2  }
0x8d: {  	s2 =	sadd.s32 s2, s14  }
0x8e: {  	[smem:$0x3FC6] =	sst s2  }
0x8f: {  	_ = 	snop  }
0x90: {  	s2 =	sld [smem:$0x3FD0];
	_ =	sdelay $0x2  }
0x91: {  	s4 =	simm.s32 $0xA;
	s5 =	simm.s32 $0x10;
	s15 =	sld [smem:$0x3FC8]  }
0x92: {  	[smem:s5], [sflag:s4] =	dma.local [hbm:s2], $0x1  }
0x93: {  	_ =	swait.eq [sflag:s4], $0x1  }
0x94: {  	[sflag:s4] =	ssyncset.done $0x0  }
0x95: {  	s16 =	sld [smem:$0x10];
	[sflag:s4] =	ssyncadd.s32 $0xFFFFFFFF  }
0x96: {  	s17 =	sld [smem:$0x11];
	(tm) =	ssettm $0x1  }
0x97: {  	s18 =	sld [smem:$0x3FFB];
	_ =	sdelay $0x3  }
0x98: {  	_ =	strace s18  }
0x99: {  	s5 =	sld [smem:$0x3FFC];
	_ =	sdelay $0x3  }
0x9a: {  	_ =	strace s5  }
0x9b: {  	s5 =	sld [smem:$0x3FFD];
	_ =	sdelay $0x3  }
0x9c: {  	_ =	strace s5  }
0x9d: {  	_ =	strace $0x8FFFFFFF  }
0x9e: {  	s19 =	sld [smem:$0x3FDB];
	_ =	sdelay $0x1  }
0x9f: {  	s6 =	simm.s32 $_scs_section_size  }
0xa0: {  	s7 =	simm.s32 $_size__tile_overlayer_lowered;
	s8 =	simm.s32 $_tile_overlayer_lowered  }
0xa1: {  	s22 =	simm.s32 $0x1BFF;
	s21 =	sshll.u32 s8, $0x1;
	s5 =	sadd.s32 s6, s19  }
0xa2: {  	s9 =	simm.s32 $0x0;
	s20 =	sshll.u32 s7, $0x1;
	s7 =	sadd.s32 s21, s5  }
0xa3: {  	[timem:s9], [sflag:s22] =	dma.local [hbm:s7], s20  }
0xa4: {  	_ =	swait.ge [sflag:s22], s20  }
0xa5: {  	s6 =	ssub.s32 $0x0, s20;
	[sflag:s22] =	ssyncset.done $0x0  }
0xa6: {  	[sflag:s22] =	ssyncadd.s32 s6;
	_ =	sdelay $0x1  }
0xa7: {  	s23 =	simm.s32 $0x1B8B  }
0xa8: {  	_ =	swait.ge [sflag:s23], $0x1  }
0xa9: {  	[sflag:s23] =	ssyncset.done $0x0  }
0xaa: {  	s25 =	simm.s32 $0x1B8E;
	s24 =	sld [smem:$0x3FFE];
	[sflag:s23] =	ssyncadd.s32 $0xFFFFFFFF  }
0xab: {  	s26 =	simm.s32 $execute0_lowered;
	[smem:$0x3FD2] =	sst s25  }
0xac: {  	s7 =	sshll.u32 s26, $0x1;
	_ =	strace $0x80000046;
	[dreg:$0x1] =	wrdreg $0xFFFFFFFF  }
0xad: {  	s28 =	simm.s32 $_size_execute0_lowered;
	s5 =	sadd.s32 s5, s7;
	[dreg:$0x0] =	wrdreg $0x0  }
0xae: {  	s7 =	sshll.u32 s28, $0x1;
	[dreg:$0x2] =	wrdreg s5  }
0xaf: {  	[dreg:$0x3] =	wrdreg s7  }
0xb0: {  	[dreg:$0x4] =	wrdreg $0xC0  }
0xb1: {  	_ =	task [dreg:s9], $0x5FFFF  }
0xb2: {  	[dreg:$0x1] =	wrdreg $0xFFFFFFFF  }
0xb3: {  	[dreg:$0x0] =	wrdreg $0x60  }
0xb4: {  	[dreg:$0x2] =	wrdreg s24  }
0xb5: {  	[dreg:$0x3] =	wrdreg s15  }
0xb6: {  	[dreg:$0x4] =	wrdreg s16  }
0xb7: {  	[dreg:$0x5] =	wrdreg s17  }
0xb8: {  	[dreg:$0x6] =	wrdreg $0x9  }
0xb9: {  	_ =	task.clear_ibuf [dreg:s9], $0x7FFFF;
	_ =	strace $0x90000046  }
0xba: {  	s29 =	simm.s32 $0x9;
	_ =	strace $0x80000048  }
0xbb: {  	_ =	swait.ge [sflag:s29], $0x1  }
0xbc: {  	[sflag:s29] =	ssyncadd.s32 $0xFFFFFFFF  }
0xbd: {  	_ =	strace $0x90000048  }
0xbe: {  	_ =	sfence  }
0xbf: {  	s30 =	sld [smem:$0x0];
	_ =	sdelay $0x2  }
0xc0: {  	s31 =	sshll.u32 s1, $0xD;
	s1 =	sshrl.u32 s1, $0x2  }
0xc1: {  	s3 =	sand.u32 $0x4000, s31;
	s1 =	sadd.s32 s1, s30  }
0xc2: {  	s0 =	sor.u32 s3, s0;
	s1 =	sshll.u32 s1, $0x11  }
0xc3: {  	s0 =	sor.u32 s1, s0  }
0xc4: {  	s0 =	sadd.s32 $0x8F2B, s0  }
0xc5: {  	[sflag:s0] =	ssyncadd.remote.s32 $0x1  }
0xc6: {  	_ =	sfence.sel $0xFFFF  }
0xc7: {  	[dreg:$0x0] =	wrdreg $0xFFFFFFFF;
	(pc) =	sbr.abs _section_cstart, $3  }
0xc8: {  	[dreg:$0x1] =	wrdreg $0xFFFFFFFF  }
0xc9: {  	_ =	task.clear_ibuf [dreg:s9], $0x2FFFF;
	_ =	strace $0x9FFFFFFF  }
0xca: {  	(tm) =	ssettm $0x7FFFFFFF  }
0xcb: {  	_ =	shalt  }
tec
execute0_lowered:
.L_overlay_start_1:
0x0: {  	(tag) =	ssettag $0x1  }
0x1: {  	s9 =	rddreg [dreg:$0x0]  }
0x2: {  	s1 =	rddreg [dreg:$0x1]  }
0x3: {  	s2 =	rddreg [dreg:$0x2]  }
0x4: {  	s3 =	rddreg [dreg:$0x3]  }
0x5: {  	s0 =	rddreg [dreg:$0x4];
	s4 =	simm.s32 $0x0;
	s5 =	srdreg.scid  }
0x6: {  	s11 =	simm.s32 $0x2;
	s12 =	simm.s32 $0x1000;
	s13 =	simm.s32 $0x1  }
0x7: {  	s14 =	simm.s32 $0x9000;
	s15 =	simm.s32 $0xD000;
	s16 =	simm.s32 $0x0  }
0x8: {  	[smem:$0x7FF] =	sst s4;
	s6 =	sand.u32 $0x1, s5;
	s5 =	stileid.u32  }
0x9: {  	v0 =	vlaneseq.u32;
	_ =	strace $0x80000047;
	s8 =	ssub.s32 $0x2, s6;
	s7 =	sshll.u32 s6, $0x4  }
0xa: {  	v0 =	vmul.u32 $0x8, v0;
	s6 =	sadd.s32 $0xC00, s9;
	s10 =	sshrl.u32 s8, $0x1;
	s7 =	sor.u32 s5, s7  }
0xb: {  	s10 =	ssub.s32 s8, s10;
	p0 =	slt.u32 s7, $0x15;
	s8 =	simm.s32 $0x62  }
0xc: {  	s9 =	sadd.s32 $0x19400, s9;
	v1 =	vor.u32 $0x400, v0;
	s8 =	simm.s32 @!p0 $0x61;
	s10 =	smax.u32 s10, $0x1  }
.LBB2_1:
0xd: {  	s17 =	simm.s32 $0x0  }
.LBB2_2:
0xe: {  	s18 =	sshll.u32 s17, $0x5  }
0xf: {  	s18 =	sor.u32 s7, s18  }
0x10: {  	s22 =	simm.s32 $0x0;
	s19 =	sshll.u32 s18, $0x9  }
0x11: {  	s30 =	sand.u32 $0xF00, s22;
	s21 =	sand.u32 $0x70, s22;
	s20 =	sadd.s32 s1, s19  }
0x12: {  	[tilespmem:s22], [sflag:$0x2] =	stream.linear.gather [hbm4b:s20+s22], $0x1000, $0x38;
	[tilespmem:$0xD800] =	vst v63  }
0x13: {  	s20 =	sor.u32 s21, s30  }
0x14: {  	_ =	swait.ge [sflag:s11], $0x1000;
	v2 =	vmov s20  }
0x15: {  	[sflag:s11] =	ssyncset.done $0x0;
	v2 =	vshll.u32 v2, $0x3  }
0x16: {  	[sflag:s11] =	ssyncadd.s32 $0xFFFFF000;
	v3 =	vor.u32 v0, v2  }
0x17: {  	v2 =	vor.u32 v1, v2;
	[tilespmem:s12], [sflag:$0x1] =	stream.indirect.gather [hbm4b:s6+s12], $0x8, s22, s12, $0xb8;
	[tilespmem:$0xD800] =	vst v63  }
0x18: {  	v4 =	vor.u32 $0x1, v2;
	_ =	swait.ge [sflag:s13], $0x8000  }
0x19: {  	v5 =	vor.u32 $0x1, v3;
	[sflag:s13] =	ssyncset.done $0x0  }
0x1a: {  	v6 =	vor.u32 $0x2, v2;
	[sflag:s13] =	ssyncadd.s32 $0xFFFF8000  }
0x1b: {  	v7 =	vor.u32 $0x2, v3;
	v3 =	vld.idx.msk [tilespmem:v3+s12+$0x0], $0xffff  }
0x1c: {  	v2 =	vld.idx.msk [tilespmem:v2+s12+$0x0], $0xffff  }
0x1d: {  	v4 =	vld.idx.msk [tilespmem:v4+s12+$0x0], $0xffff  }
0x1e: {  	v5 =	vld.idx.msk [tilespmem:v5+s12+$0x0], $0xffff  }
0x1f: {  	v6 =	vld.idx.msk [tilespmem:v6+s12+$0x0], $0xffff  }
0x20: {  	v7 =	vld.idx.msk [tilespmem:v7+s12+$0x0], $0xffff;
	_ =	sdelay $0x2  }
0x21: {  	s24 =	simm.s32 $0x20;
	s20 =	simm.s32 $0x10;
	v2 =	vsub.f32 v3, v2;
	v3 =	vsub.f32 v5, v4  }
0x22: {  	s31 =	sand.u32 $0xF00, s24;
	s23 =	sand.u32 $0x70, s20  }
0x23: {  	s21 =	sor.u32 s23, s31;
	v4 =	vsub.f32 v7, v6;
	v5 =	vmul.f32 v2, v2;
	v6 =	vmul.f32 v3, v3  }
0x24: {  	v7 =	vmov s21  }
0x25: {  	v7 =	vshll.u32 v7, $0x3;
	v10 =	vmul.f32 v4, v4;
	v9 =	vadd.f32 v6, v5  }
0x26: {  	v8 =	vor.u32 v0, v7;
	v7 =	vor.u32 v1, v7  }
0x27: {  	s25 =	simm.s32 $0x20;
	s23 =	simm.s32 $0xD000;
	s21 =	simm.s32 $0xD000;
	v5 =	vor.u32 $0x2, v8;
	v6 =	vor.u32 $0x2, v7;
	v9 =	vadd.f32 v10, v9  }
.LBB2_3:
0x28: {  	p0 =	sne.s32 s25, $0x7F0  }
0x29: {  	v10 =	vor.u32 $0x1, v8;
	v11 =	vor.u32 $0x1, v7;
	s21 =	sadd.s32 $0x10, s21;
	s26 =	smov.u32 s25;
	s25 =	sadd.s32 $0x10, s25  }
0x2a: {  	v12 =	vshra.s32 v9, $0x1;
	v13 =	vmul.f32 $5.000000000e-01, v9  }
0x2b: {  	v12 =	vsub.s32 $0x5F3759DF, v12  }
0x2c: {  	v14 =	vmul.f32 v12, v13;
	_ =	sdelay $0x1  }
0x2d: {  	v14 =	vmul.f32 v12, v14;
	_ =	sdelay $0x1  }
0x2e: {  	v14 =	vsub.f32 $1.500000000e+00, v14;
	_ =	sdelay $0x1  }
0x2f: {  	v12 =	vmul.f32 v12, v14;
	_ =	sdelay $0x1  }
0x30: {  	v13 =	vmul.f32 v12, v13;
	_ =	sdelay $0x1  }
0x31: {  	v13 =	vmul.f32 v13, v12;
	_ =	sdelay $0x1  }
0x32: {  	v13 =	vsub.f32 $1.500000000e+00, v13  }
0x33: {  	v14 =	vmov s22;
	s22 =	smov.u32 s20;
	s20 =	smov.u32 s26  }
0x34: {  	v14 =	vshll.u32 v14, $0x3;
	v12 =	vmul.f32 v13, v12  }
0x35: {  	v13 =	vor.u32 v0, v14  }
0x36: {  	v9 =	vmul.f32 v12, v9;
	v12 =	vor.u32 $0x1, v13  }
0x37: {  	v14 =	vor.u32 $0x2, v13  }
0x38: {  	v9 =	vmax.f32 v9, $9.999999930e-09  }
0x39: {  	[tilespmem:s23+$0x0] =	vst v9;
	s23 =	smov.u32 s21  }
0x3a: {  	[tilespmem:v13+s14+$0x0] =	vst.idx.msk $0xffff, v2  }
0x3b: {  	[tilespmem:v12+s14+$0x0] =	vst.idx.msk $0xffff, v3  }
0x3c: {  	[tilespmem:v14+s14+$0x0] =	vst.idx.msk $0xffff, v4  }
0x3d: {  	v2 =	vld.idx.msk [tilespmem:v8+s12+$0x0], $0xffff  }
0x3e: {  	v3 =	vld.idx.msk [tilespmem:v7+s12+$0x0], $0xffff  }
0x3f: {  	v4 =	vld.idx.msk [tilespmem:v11+s12+$0x0], $0xffff  }
0x40: {  	v7 =	vld.idx.msk [tilespmem:v10+s12+$0x0], $0xffff  }
0x41: {  	v6 =	vld.idx.msk [tilespmem:v6+s12+$0x0], $0xffff  }
0x42: {  	v5 =	vld.idx.msk [tilespmem:v5+s12+$0x0], $0xffff;
	_ =	sdelay $0x1  }
0x43: {  	v2 =	vsub.f32 v2, v3;
	_ =	sdelay $0x1  }
0x44: {  	s24 =	sadd.s32 $0x20, s24;
	v3 =	vsub.f32 v7, v4  }
0x45: {  	s26 =	sand.u32 $0xF00, s24;
	s28 =	sand.u32 $0x70, s20  }
.Ltmp0:
0x46: {  	s26 =	sor.u32 s28, s26;
	v4 =	vsub.f32 v5, v6;
	v5 =	vmul.f32 v2, v2;
	v6 =	vmul.f32 v3, v3;
	(pc) =	sbr.rel @p0 .LBB2_3-.Ltmp0, $4  }
0x47: {  	v7 =	vmov s26  }
0x48: {  	v7 =	vshll.u32 v7, $0x3;
	v9 =	vadd.f32 v6, v5;
	v10 =	vmul.f32 v4, v4  }
0x49: {  	v8 =	vor.u32 v0, v7;
	v7 =	vor.u32 v1, v7  }
0x4a: {  	v5 =	vor.u32 $0x2, v8;
	v6 =	vor.u32 $0x2, v7;
	v9 =	vadd.f32 v10, v9  }
0x4b: {  	_ = 	snop  }
0x4c: {  	v10 =	vshra.s32 v9, $0x1;
	v11 =	vmul.f32 $5.000000000e-01, v9  }
0x4d: {  	v10 =	vsub.s32 $0x5F3759DF, v10  }
0x4e: {  	v12 =	vmul.f32 v10, v11;
	_ =	sdelay $0x1  }
0x4f: {  	v12 =	vmul.f32 v10, v12;
	_ =	sdelay $0x1  }
0x50: {  	v12 =	vsub.f32 $1.500000000e+00, v12;
	_ =	sdelay $0x1  }
0x51: {  	v10 =	vmul.f32 v10, v12;
	_ =	sdelay $0x1  }
0x52: {  	v11 =	vmul.f32 v10, v11;
	_ =	sdelay $0x1  }
0x53: {  	v11 =	vmul.f32 v11, v10;
	_ =	sdelay $0x1  }
0x54: {  	v11 =	vsub.f32 $1.500000000e+00, v11  }
0x55: {  	v49 =	vmov s22  }
0x56: {  	v12 =	vshll.u32 v49, $0x3;
	v10 =	vmul.f32 v11, v10  }
0x57: {  	v50 =	vor.u32 v0, v12  }
0x58: {  	v52 =	vor.u32 $0x1, v50;
	v51 =	vmul.f32 v10, v9  }
0x59: {  	v12 =	vor.u32 $0x2, v50  }
0x5a: {  	v9 =	vmax.f32 v51, $9.999999930e-09  }
0x5b: {  	[tilespmem:s23+$0x0] =	vst v9  }
0x5c: {  	v53 =	vor.u32 $0x1, v7;
	[tilespmem:v50+s14+$0x0] =	vst.idx.msk $0xffff, v2  }
0x5d: {  	v2 =	vor.u32 $0x1, v8;
	[tilespmem:v52+s14+$0x0] =	vst.idx.msk $0xffff, v3  }
0x5e: {  	[tilespmem:v12+s14+$0x0] =	vst.idx.msk $0xffff, v4  }
0x5f: {  	v3 =	vld.idx.msk [tilespmem:v8+s12+$0x0], $0xffff  }
0x60: {  	v4 =	vld.idx.msk [tilespmem:v7+s12+$0x0], $0xffff  }
0x61: {  	v54 =	vld.idx.msk [tilespmem:v53+s12+$0x0], $0xffff  }
0x62: {  	v2 =	vld.idx.msk [tilespmem:v2+s12+$0x0], $0xffff  }
0x63: {  	v6 =	vld.idx.msk [tilespmem:v6+s12+$0x0], $0xffff  }
0x64: {  	v5 =	vld.idx.msk [tilespmem:v5+s12+$0x0], $0xffff;
	_ =	sdelay $0x2  }
0x65: {  	v3 =	vsub.f32 v3, v4;
	v2 =	vsub.f32 v2, v54;
	_ =	sdelay $0x1  }
0x66: {  	v55 =	vsub.f32 v5, v6;
	v56 =	vmul.f32 v3, v3;
	v57 =	vmul.f32 v2, v2;
	_ =	sdelay $0x1  }
0x67: {  	v58 =	vmul.f32 v55, v55;
	v5 =	vadd.f32 v57, v56;
	_ =	sdelay $0x1  }
0x68: {  	v5 =	vadd.f32 v58, v5;
	_ =	sdelay $0x1  }
0x69: {  	v6 =	vshra.s32 v5, $0x1;
	v59 =	vmul.f32 $5.000000000e-01, v5  }
0x6a: {  	v6 =	vsub.s32 $0x5F3759DF, v6  }
0x6b: {  	v60 =	vmul.f32 v6, v59;
	_ =	sdelay $0x1  }
0x6c: {  	v8 =	vmul.f32 v6, v60;
	_ =	sdelay $0x1  }
0x6d: {  	v8 =	vsub.f32 $1.500000000e+00, v8;
	_ =	sdelay $0x1  }
0x6e: {  	v6 =	vmul.f32 v6, v8;
	_ =	sdelay $0x1  }
0x6f: {  	v7 =	vmul.f32 v6, v59;
	_ =	sdelay $0x1  }
0x70: {  	v7 =	vmul.f32 v7, v6;
	_ =	sdelay $0x1  }
0x71: {  	v7 =	vsub.f32 $1.500000000e+00, v7  }
0x72: {  	v61 =	vmov s20  }
0x73: {  	v8 =	vshll.u32 v61, $0x3;
	v6 =	vmul.f32 v7, v6  }
0x74: {  	v62 =	vor.u32 v0, v8  }
0x75: {  	v63 =	vor.u32 $0x1, v62;
	v5 =	vmul.f32 v6, v5  }
0x76: {  	v8 =	vor.u32 $0x2, v62  }
0x77: {  	s29 =	sadd.s32 $0x10, s21;
	v5 =	vmax.f32 v5, $9.999999930e-09  }
0x78: {  	[tilespmem:s29+$0x0] =	vst v5  }
0x79: {  	[tilespmem:v62+s14+$0x0] =	vst.idx.msk $0xffff, v3  }
0x7a: {  	[tilespmem:v63+s14+$0x0] =	vst.idx.msk $0xffff, v2  }
0x7b: {  	s19 =	sadd.s32 s2, s19;
	[tilespmem:v8+s14+$0x0] =	vst.idx.msk $0xffff, v55  }
0x7c: {  	[hbm4b:s19+s4] =	stream.linear.scatter [tilespmem:s4], [sflag:$0x2], $0x1000, $0x38;
	[tilespmem:$0xD800] =	vst v63  }
0x7d: {  	_ =	swait.ge [sflag:s11], $0x1000  }
0x7e: {  	s30 =	sshll.u32 s18, $0x8;
	[sflag:s11] =	ssyncset.done $0x0  }
0x7f: {  	s19 =	sadd.s32 s3, s30;
	[sflag:s11] =	ssyncadd.s32 $0xFFFFF000  }
0x80: {  	[hbm4b:s19+s4] =	stream.linear.scatter [tilespmem:s15], [sflag:$0x2], $0x800, $0x38;
	[tilespmem:$0xD800] =	vst v63  }
0x81: {  	s17 =	sadd.s32 $0x1, s17;
	_ =	swait.ge [sflag:s11], $0x800  }
0x82: {  	s31 =	sshll.u32 s18, $0xB;
	p0 =	sne.s32 s17, s8;
	[sflag:s11] =	ssyncset.done $0x0  }
.Ltmp1:
0x83: {  	s18 =	sadd.s32 s9, s31;
	[sflag:s11] =	ssyncadd.s32 $0xFFFFF800;
	(pc) =	sbr.rel @p0 .LBB2_2-.Ltmp1, $4  }
0x84: {  	[hbm4b:s18+s4] =	stream.linear.scatter [tilespmem:s14], [sflag:$0x2], $0x4000, $0x38;
	[tilespmem:$0xD800] =	vst v63  }
0x85: {  	_ =	swait.ge [sflag:s11], $0x4000  }
0x86: {  	[sflag:s11] =	ssyncset.done $0x0  }
0x87: {  	[sflag:s11] =	ssyncadd.s32 $0xFFFFC000  }
0x88: {  	s16 =	sadd.s32 $0x1, s16  }
0x89: {  	p0 =	sne.s32 s16, s10  }
.Ltmp2:
0x8a: {  	_ = 	snop;
	(pc) =	sbr.rel @p0 .LBB2_1-.Ltmp2, $1  }
0x8b: {  	_ =	sdelay $0x3  }
0x8c: {  	_ =	sfence.sel $0x180000  }
0x8d: {  	[bflag:$0x0] =	sbarrier.arrive $0xFFFF  }
0x8e: {  	p0 =	sne.s32 s5, $0x0;
	_ =	strace $0x90000047  }
0x8f: {  	s0 =	sadd.s32 @!p0 $0x100000, s0;
	[bflag:$0x2] =	sbarrier.arrive $0xFFFF  }
0x90: {  	[sflag:s0] =	ssyncadd.tile.s32 @!p0 $0x1;
	_ =	shalt  }
.Lfunc_end2:
_tile_overlayer_lowered:
.L_overlay_start_2:
0x91: {  	(tag) =	ssettag $0x2  }
0x92: {  	s0 =	rddreg [dreg:$0x0];
	s2 =	stileid.u32  }
0x93: {  	s1 =	rddreg [dreg:$0x1];
	p0 =	sne.s32 s2, $0x0  }
0x94: {  	s3 =	rddreg [dreg:$0x2];
	[bflag:$0x3] =	sbarrier.arrive $0xFFFF;
	s2 =	simm.s32 @!p0 $0x1C02  }
0x95: {  	[timem:s3], [sflag:s2] =	dma.local @!p0 [hbm:s0], s1  }
0x96: {  	s0 =	simm.s32 @!p0 $0x2  }
0x97: {  	_ =	swait.ge @!p0 [sflag:s0], s1  }
0x98: {  	s1 =	ssub.s32 @!p0 $0x0, s1;
	[sflag:s0] =	ssyncset.done @!p0 $0x0  }
0x99: {  	[sflag:s0] =	ssyncadd.s32 @!p0 s1  }
0x9a: {  	[bflag:$0x3] =	sbarrier.arrive $0xFFFF  }
0x9b: {  	_ =	shalt  }

// kernel: sparse-core-data-format-call.cloned.1.call-start
scs
called_computation_lowered:
.L_overlay_start_0:
0x0: {  	s2 =	sld [smem:$0x3FD9]  }
0x1: {  	s3 =	sld [smem:$0x3FFE];
	_ =	sdelay $0x1  }
0x2: {  	s1 =	srdreg.scid  }
0x3: {  	s0 =	sand.u32 $0x1, s1  }
0x4: {  	s15 =	sshll.u32 s0, $0xA;
	s2 =	sadd.s32 s3, s2  }
0x5: {  	s2 =	sadd.s32 s2, s15  }
0x6: {  	[smem:$0x3FC6] =	sst s2  }
0x7: {  	_ = 	snop  }
0x8: {  	s2 =	sld [smem:$0x3FD0];
	_ =	sdelay $0x2  }
0x9: {  	s16 =	simm.s32 $0xA;
	s4 =	simm.s32 $0x10  }
0xa: {  	[smem:s4], [sflag:s16] =	dma.local [hbm:s2], $0x1  }
0xb: {  	_ =	swait.eq [sflag:s16], $0x1  }
0xc: {  	[sflag:s16] =	ssyncset.done $0x0  }
0xd: {  	[sflag:s16] =	ssyncadd.s32 $0xFFFFFFFF  }
0xe: {  	s17 =	sld [smem:$0x12];
	(tm) =	ssettm $0x1  }
0xf: {  	s18 =	sld [smem:$0x3FFB];
	_ =	sdelay $0x3  }
0x10: {  	_ =	strace s18  }
0x11: {  	s3 =	sld [smem:$0x3FFC];
	_ =	sdelay $0x3  }
0x12: {  	_ =	strace s3  }
0x13: {  	s3 =	sld [smem:$0x3FFD];
	_ =	sdelay $0x3  }
0x14: {  	_ =	strace s3  }
0x15: {  	_ =	strace $0x8FFFFFFF  }
0x16: {  	s19 =	sld [smem:$0x3FDB];
	_ =	sdelay $0x1  }
0x17: {  	s20 =	simm.s32 $_scs_section_size  }
0x18: {  	s5 =	simm.s32 $_size__tile_overlayer_lowered;
	s6 =	simm.s32 $_tile_overlayer_lowered  }
0x19: {  	s23 =	simm.s32 $0x1BFF;
	s22 =	sshll.u32 s6, $0x1;
	s3 =	sadd.s32 s20, s19  }
0x1a: {  	s7 =	simm.s32 $0x0;
	s21 =	sshll.u32 s5, $0x1;
	s5 =	sadd.s32 s22, s3  }
0x1b: {  	[timem:s7], [sflag:s23] =	dma.local [hbm:s5], s21  }
0x1c: {  	_ =	swait.ge [sflag:s23], s21  }
0x1d: {  	s4 =	ssub.s32 $0x0, s21;
	[sflag:s23] =	ssyncset.done $0x0  }
0x1e: {  	[sflag:s23] =	ssyncadd.s32 s4;
	_ =	sdelay $0x1  }
0x1f: {  	s24 =	simm.s32 $0x1B8B  }
0x20: {  	_ =	swait.ge [sflag:s24], $0x1  }
0x21: {  	[sflag:s24] =	ssyncset.done $0x0  }
0x22: {  	s26 =	simm.s32 $0x1B8E;
	s25 =	sld [smem:$0x3FFE];
	[sflag:s24] =	ssyncadd.s32 $0xFFFFFFFF  }
0x23: {  	s27 =	simm.s32 $execute0_lowered;
	[smem:$0x3FD2] =	sst s26  }
0x24: {  	s5 =	sshll.u32 s27, $0x1;
	_ =	strace $0x80000049;
	[dreg:$0x1] =	wrdreg $0xFFFFFFFF  }
0x25: {  	s28 =	simm.s32 $_size_execute0_lowered;
	s3 =	sadd.s32 s3, s5;
	[dreg:$0x0] =	wrdreg $0x0  }
0x26: {  	s5 =	sshll.u32 s28, $0x1;
	[dreg:$0x2] =	wrdreg s3  }
0x27: {  	[dreg:$0x3] =	wrdreg s5  }
0x28: {  	[dreg:$0x4] =	wrdreg $0xC0  }
0x29: {  	_ =	task [dreg:s7], $0x5FFFF  }
0x2a: {  	[dreg:$0x1] =	wrdreg $0xFFFFFFFF  }
0x2b: {  	[dreg:$0x0] =	wrdreg $0x60  }
0x2c: {  	[dreg:$0x2] =	wrdreg s25  }
0x2d: {  	[dreg:$0x3] =	wrdreg s17  }
0x2e: {  	[dreg:$0x4] =	wrdreg $0x9  }
0x2f: {  	_ =	task.clear_ibuf [dreg:s7], $0x5FFFF;
	_ =	strace $0x90000049  }
0x30: {  	s29 =	simm.s32 $0x9;
	_ =	strace $0x8000004B  }
0x31: {  	_ =	swait.ge [sflag:s29], $0x1  }
0x32: {  	[sflag:s29] =	ssyncadd.s32 $0xFFFFFFFF  }
0x33: {  	_ =	strace $0x9000004B  }
0x34: {  	_ =	sfence  }
0x35: {  	s30 =	sld [smem:$0x0];
	_ =	sdelay $0x2  }
0x36: {  	s31 =	sshll.u32 s1, $0xD;
	s1 =	sshrl.u32 s1, $0x2  }
0x37: {  	s3 =	sand.u32 $0x4000, s31;
	s1 =	sadd.s32 s1, s30  }
0x38: {  	s0 =	sor.u32 s3, s0;
	s1 =	sshll.u32 s1, $0x11  }
0x39: {  	s0 =	sor.u32 s1, s0  }
0x3a: {  	s0 =	sadd.s32 $0x8F2B, s0  }
0x3b: {  	[sflag:s0] =	ssyncadd.remote.s32 $0x1  }
0x3c: {  	_ =	sfence.sel $0xFFFF  }
0x3d: {  	[dreg:$0x0] =	wrdreg $0xFFFFFFFF;
	(pc) =	sbr.abs _section_cstart, $3  }
0x3e: {  	[dreg:$0x1] =	wrdreg $0xFFFFFFFF  }
0x3f: {  	_ =	task.clear_ibuf [dreg:s7], $0x2FFFF;
	_ =	strace $0x9FFFFFFF  }
0x40: {  	(tm) =	ssettm $0x7FFFFFFF  }
0x41: {  	_ =	shalt  }
tec
execute0_lowered:
.L_overlay_start_1:
0x0: {  	(tag) =	ssettag $0x1  }
0x1: {  	s0 =	srdreg.scid  }
0x2: {  	s5 =	rddreg [dreg:$0x0];
	s1 =	sshll.u32 s0, $0x4  }
0x3: {  	s2 =	rddreg [dreg:$0x1];
	s0 =	stileid.u32;
	s1 =	sand.u32 $0x10, s1  }
0x4: {  	s4 =	simm.s32 $0x1;
	s8 =	simm.s32 $0x2;
	s1 =	sor.u32 s0, s1  }
0x5: {  	s12 =	simm.s32 $0x0;
	s9 =	simm.s32 $0x0;
	s3 =	sshll.u32 s1, $0x7  }
0x6: {  	s11 =	simm.s32 $0x0;
	s5 =	sadd.s32 $0x633C00, s5;
	s6 =	ssub.s32 $0x61A800, s3  }
.Ltmp0:
0x7: {  	s1 =	rddreg [dreg:$0x2];
	s7 =	sand.u32 $0xF80, s6;
	(pc) =	sbr.rel .LBB1_1-.Ltmp0, $4  }
0x8: {  	_ =	strace $0x8000004A;
	p0 =	sne.s32 s7, $0x0;
	s7 =	simm.s32 $0x1  }
0x9: {  	[sflag:s4] =	ssyncpa.u1 $0x0;
	s6 =	sshrl.u32 s6, $0xC;
	s7 =	simm.s32 @!p0 $0x0  }
0xa: {  	s10 =	smov.u32 s3;
	[sflag:s8] =	ssyncpa.u1 $0x0;
	s6 =	sadd.s32 s7, s6  }
0xb: {  	s8 =	simm.s32 $0x186A000;
	p0 =	por $0x0, $0x0;
	s7 =	sadd.s32 $0x1, s6  }
.LBB1_4:
0xc: {  	s15 =	sshll.u32 s9, $0x2;
	p1 =	sgt.s32 s9, $0x61A780  }
0xd: {  	s17 =	smov.u32 s9;
	s18 =	sshra.s32 s9, $0x1F;
	s16 =	sshrl.u32 s15, $0xB  }
0xe: {  	s17 =	simm.s32 @!p1 $0x61A780;
	s18 =	sand.u32 s18, s9;
	s16 =	smulhi.u32 $0x14F8B6, s16  }
0xf: {  	s19 =	sand.u32 $0x7F, s9;
	s15 =	sand.u32 $0xFFFFFE00, s15;
	s17 =	ssub.s32 s17, s18  }
0x10: {  	s17 =	sadd.s32 $0xFF9E5880, s17;
	s26 =	smul.u32 $0x61A800, s16  }
0x11: {  	s15 =	sor.u32 s19, s15;
	s16 =	sand.u32 $0x3, s16;
	s27 =	sshll.u32 s17, $0x4  }
0x12: {  	s28 =	ssub.s32 $0x800, s27;
	s16 =	smul.u32 $0xC3500, s16;
	s15 =	ssub.s32 s15, s26  }
0x13: {  	p1 =	sgt.s32 s17, $0x7F;
	s17 =	sshrl.u32 s28, $0x2;
	s29 =	sand.u32 $0x7, s15  }
0x14: {  	s15 =	sshrl.u32 s15, $0x3;
	s16 =	sadd.s32 s2, s16;
	s18 =	sshll.u32 s29, $0x12  }
0x15: {  	[tilespmem:s14+$0x0 ss:$0x81] =	vst.msk $0xffff, v0;
	s17 =	simm.s32 @p1 $0x0;
	s30 =	sadd.s32 s15, s16;
	s31 =	sor.u32 $0x200, s18  }
0x16: {  	[hbm4b:s30+s31] =	stream.strided.scatter [tilespmem:s13], [sflag:$0x2], s17, s8, s31, $0x20;
	[tilespmem:$0x4040] =	vst v63  }
.LBB1_5:
0x17: {  	p1 =	slt.u32 s11, $0x2  }
0x18: {  	p2 =	sgt.s32 @!p1 s12, $0x61A780  }
0x19: {  	s13 =	smov.u32 s12;
	s14 =	sshra.s32 @!p1 s12, $0x1F;
	p2 =	por !p2, p1  }
0x1a: {  	s12 =	sand.u32 @!p1 s14, s12;
	s13 =	simm.s32 @p2 $0x61A780  }
0x1b: {  	s12 =	ssub.s32 @!p1 s13, s12  }
0x1c: {  	s12 =	sadd.s32 @!p1 $0xFF9E5880, s12  }
0x1d: {  	s13 =	sshll.u32 @!p1 s12, $0x4  }
0x1e: {  	p2 =	sgt.s32 @!p1 s12, $0x7F;
	s12 =	ssub.s32 @!p1 $0x800, s13  }
0x1f: {  	s14 =	sadd.s32 $0x1000, s10;
	p2 =	por !p2, p1;
	s12 =	sshrl.u32 @!p1 s12, $0x2  }
0x20: {  	s12 =	simm.s32 @!p2 $0x0;
	p2 =	sgt.s32 s14, $0x61A7FF  }
0x21: {  	s14 =	smov.u32 @p2 s3;
	p2 =	sne.s32 s11, s7  }
.Ltmp1:
0x22: {  	_ = 	snop;
	(pc) =	sbr.rel @!p2 .LBB1_6-.Ltmp1, $4  }
0x23: {  	s13 =	simm.s32 @!p1 $0x2  }
0x24: {  	p0 =	por !p0, !p0;
	_ =	swait.ge @!p1 [sflag:s13], s12;
	s15 =	ssub.s32 @!p1 $0x0, s12  }
0x25: {  	s12 =	smov.u32 s9;
	s11 =	sadd.s32 $0x1, s11;
	[sflag:s13] =	ssyncset.done @!p1 $0x0  }
0x26: {  	s9 =	smov.u32 s10;
	s10 =	smov.u32 s14;
	[sflag:s13] =	ssyncadd.s32 @!p1 s15  }
.LBB1_1:
0x27: {  	p1 =	sge.u32 s11, s6  }
0x28: {  	s13 =	sand.u32 @!p1 $0x1FFFFFF, s10  }
0x29: {  	s14 =	smulhi.u32 @!p1 $0x14F8B59, s13;
	_ =	sdelay $0x1  }
0x2a: {  	s14 =	sshrl.u32 @!p1 s14, $0xF  }
0x2b: {  	s14 =	smul.u32 @!p1 $0x61A800, s14;
	_ =	sdelay $0x1  }
0x2c: {  	s31 =	sadd.s32 $0xFFFFFFFF, s11;
	s15 =	sxor.u32 @!p1 $0xFFFFFFFF, s11;
	s13 =	ssub.s32 @!p1 s13, s14  }
0x2d: {  	s16 =	simm.s32 @!p1 $0x80;
	s15 =	sshll.u32 @!p1 s15, $0xC;
	s13 =	sshll.u32 @!p1 s13, $0x4  }
0x2e: {  	s14 =	sand.u32 @!p1 $0x1000, s15;
	s15 =	simm.s32 @!p1 $0x20;
	s13 =	sadd.s32 @!p1 s5, s13  }
0x2f: {  	[tilespmem:s14], [sflag:$0x1] =	stream.strided.gather @!p1 [hbm4b:s13+s15], $0x1000, s16, s15, $0x38;
	[tilespmem:$0x4040] =	vst v63  }
0x30: {  	p1 =	sge.u32 s31, s6  }
.Ltmp2:
0x31: {  	_ = 	snop;
	(pc) =	sbr.rel @p1 .LBB1_5-.Ltmp2, $1  }
0x32: {  	_ =	sdelay $0x3  }
0x33: {  	s13 =	simm.s32 $0x1  }
0x34: {  	_ =	swait.ge [sflag:s4], $0x1000;
	s13 =	simm.s32 @!p0 $0x0  }
0x35: {  	[sflag:s4] =	ssyncset.done $0x0;
	s14 =	sshll.u32 s13, $0xC  }
0x36: {  	[sflag:s4] =	ssyncadd.s32 $0xFFFFF000;
	s17 =	sor.u32 $0x10, s14  }
0x37: {  	s13 =	smul.u32 $0x4080, s13;
	v1 =	vld [tilespmem:s17+$0x0]  }
0x38: {  	s30 =	sand.u32 $0x1, s11;
	v0 =	vld [tilespmem:s17+$0xFFFFFFF0]  }
0x39: {  	s14 =	smul.u32 $0x4080, s30;
	s13 =	sshrl.u32 s13, $0x2  }
0x3a: {  	s15 =	sor.u32 $0x2000, s13  }
0x3b: {  	s31 =	sshrl.u32 s14, $0x2;
	s14 =	sadd.s32 $0x0, s15  }
0x3c: {  	s16 =	simm.s32 $0x4;
	s17 =	sadd.s32 $0x20, s17;
	s13 =	sor.u32 $0x2000, s31;
	[tilespmem:s14+$0x810 ss:$0x81] =	vst.msk $0xffff, v1  }
.LBB1_3:
0x3d: {  	v1 =	vld [tilespmem:s17+$0x0];
	p1 =	sne.s32 s16, $0x1FC;
	[tilespmem:s14+$0x0 ss:$0x81] =	vst.msk $0xffff, v0;
	s14 =	smov.u32 s16;
	s16 =	sadd.s32 $0x4, s16  }
.Ltmp3:
0x3e: {  	v0 =	vld [tilespmem:s17+$0xFFFFFFF0];
	(pc) =	sbr.rel @p1 .LBB1_3-.Ltmp3, $4  }
0x3f: {  	_ = 	snop  }
0x40: {  	s14 =	sshra.s32 s14, $0x2  }
0x41: {  	s14 =	sadd.s32 s14, s15  }
0x42: {  	s17 =	sadd.s32 $0x20, s17;
	[tilespmem:s14+$0x810 ss:$0x81] =	vst.msk $0xffff, v1  }
.Ltmp4:
0x43: {  	_ = 	snop;
	(pc) =	sbr.rel .LBB1_4-.Ltmp4, $1  }
0x44: {  	_ =	sdelay $0x3  }
.LBB1_6:
0x45: {  	_ =	sfence.sel $0x180000  }
0x46: {  	s2 =	simm.s32 $0x1;
	[bflag:$0x0] =	sbarrier.arrive $0xFFFF  }
0x47: {  	s31 =	simm.s32 $0x2;
	[sflag:s2] =	ssyncpa.u1 $0x1  }
0x48: {  	[sflag:s31] =	ssyncpa.u1 $0x1  }
0x49: {  	p0 =	sne.s32 s0, $0x0;
	_ =	strace $0x9000004A  }
0x4a: {  	s0 =	sadd.s32 @!p0 $0x100000, s1;
	[bflag:$0x2] =	sbarrier.arrive $0xFFFF  }
0x4b: {  	[sflag:s0] =	ssyncadd.tile.s32 @!p0 $0x1;
	_ =	shalt  }
.Lfunc_end1:
_tile_overlayer_lowered:
.L_overlay_start_2:
0x4c: {  	(tag) =	ssettag $0x2  }
0x4d: {  	s0 =	rddreg [dreg:$0x0];
	s2 =	stileid.u32  }
0x4e: {  	s1 =	rddreg [dreg:$0x1];
	p0 =	sne.s32 s2, $0x0  }
0x4f: {  	s3 =	rddreg [dreg:$0x2];
	[bflag:$0x3] =	sbarrier.arrive $0xFFFF;
	s2 =	simm.s32 @!p0 $0x1C01  }
0x50: {  	[timem:s3], [sflag:s2] =	dma.local @!p0 [hbm:s0], s1  }
0x51: {  	s0 =	simm.s32 @!p0 $0x1  }
0x52: {  	_ =	swait.ge @!p0 [sflag:s0], s1  }
0x53: {  	s1 =	ssub.s32 @!p0 $0x0, s1;
	[sflag:s0] =	ssyncset.done @!p0 $0x0  }
0x54: {  	[sflag:s0] =	ssyncadd.s32 @!p0 s1  }
0x55: {  	[bflag:$0x3] =	sbarrier.arrive $0xFFFF  }
0x56: {  	_ =	shalt  }

</sc_bundles>
